<compile_context>
chip_gen: v7x
topology: tpu7x:2x2x1
jax: 0.10.2.dev20260603
libtpu: 0.0.44.dev20260713+nightly
codegen_flags: <defaults>
</compile_context>

<pallas_src>
import functools

import jax
import jax.numpy as jnp
from jax import lax
from jax.experimental import pallas as pl
from jax.experimental.pallas import tpu as pltpu
from jax.experimental.pallas import tpu_sc as plsc

_D = 128
_E = 320000
_N = 10000
_C = 80
_NW = 32
_EPW = _E // _NW
_CPW = _EPW // _C
_R = 4
_LAG = 2
_RL = 4
_ILAG = 2
_T = (_CPW - 1) // _R
_KH = 2
_TROWS = 640

_mesh = plsc.VectorSubcoreMesh(core_axis_name="c", subcore_axis_name="s")


@functools.partial(
    pl.kernel,
    out_type=jax.ShapeDtypeStruct((_E, _D), jnp.float32),
    mesh=_mesh,
    scratch_types=[
        pltpu.VMEM((_R, _C), jnp.int32),
        pltpu.VMEM((_R, _C, _D), jnp.float32),
        pltpu.VMEM_SHARED((_N, _D), jnp.float32),
        pltpu.SemaphoreType.DMA((_R,)),
        pltpu.SemaphoreType.DMA((_R,)),
        pltpu.SemaphoreType.DMA((_R,)),
        pltpu.SemaphoreType.DMA,
    ],
)
def _gather_kernel(table, idx_hbm, out, idxr, rbuf, shtab, isem, gsem, wsem,
                   ssem):
    sid = lax.axis_index("s")
    wid = sid * 2 + lax.axis_index("c")
    e0 = wid * _EPW

    def start_idx(c, slot):
        pltpu.async_copy(
            idx_hbm.at[pl.ds(e0 + c * _C, _C)], idxr.at[slot], isem.at[slot]
        )

    def wait_idx(slot):
        pltpu.make_async_copy(
            idx_hbm.at[pl.ds(0, _C)], idxr.at[slot], isem.at[slot]
        ).wait()

    def start_gather(slot, src):
        pltpu.async_copy(src.at[idxr.at[slot]], rbuf.at[slot], gsem.at[slot])

    def wait_gather(slot):
        pltpu.make_async_copy(
            shtab.at[idxr.at[0]], rbuf.at[slot], gsem.at[slot]
        ).wait()

    def start_write(c, slot):
        pltpu.async_copy(
            rbuf.at[slot], out.at[pl.ds(e0 + c * _C, _C)], wsem.at[slot]
        )

    def wait_write(slot):
        pltpu.make_async_copy(
            rbuf.at[slot], out.at[pl.ds(0, _C)], wsem.at[slot]
        ).wait()

    for s in range(_RL):
        start_idx(s, s)

    off = jnp.where(sid == 15, _N - _TROWS, sid * _TROWS)
    off = pl.multiple_of(off, 16)
    pltpu.async_copy(
        table.at[pl.ds(off, _TROWS)], shtab.at[pl.ds(off, _TROWS)], ssem
    )

    for s in range(_ILAG):
        wait_idx(s)
        start_gather(s, table)

    def make_outer(src):
        def outer(t, carry):
            for b in range(_R):
                c = t * _R + b
                slot = b
                slot_w = (b + _R - _LAG) % _R
                slot_g = (b + _ILAG) % _R

                if b >= _LAG:
                    wait_write(slot_w)
                else:
                    @pl.when(t > 0)
                    def _():
                        wait_write(slot_w)

                if b == _R - 1:
                    @pl.when(t < _T - 1)
                    def _():
                        wait_idx(slot_g)
                        start_gather(slot_g, src)
                else:
                    wait_idx(slot_g)
                    start_gather(slot_g, src)

                wait_gather(slot)
                start_write(c, slot)

                if b == 0:
                    start_idx(c + _RL, slot)
                else:
                    @pl.when(t < _T - 1)
                    def _():
                        start_idx(c + _RL, slot)
            return carry
        return outer

    lax.fori_loop(0, _KH, make_outer(table), 0)
    pltpu.make_async_copy(
        table.at[pl.ds(off, _TROWS)], shtab.at[pl.ds(off, _TROWS)], ssem
    ).wait()
    plsc.subcore_barrier()
    lax.fori_loop(_KH, _T, make_outer(shtab), 0)

    wait_gather(0)
    start_write(_CPW - 1, 0)
    wait_write(2)
    wait_write(3)
    wait_write(0)


def kernel(src_node_states, dst_node_states, dst_index, src_index, edge_states):
    del dst_node_states, dst_index, edge_states
    return _gather_kernel(src_node_states, src_index)

# --- scband reference (transcript-rebuilt; emitter-appended) ---
"""Pipeline reference for scband-node-centric-conv-8907762172420 (READ-ONLY COPY).

The authoritative reference and input builder live on the scoring server;
editing this copy changes nothing except your own understanding.
"""

import jax, jax.numpy as jnp
import numpy as np

N_NODES = 10000
N_EDGES = 320000
D_FEAT = 128


def setup_inputs(seed: int = 0) -> dict:
    key = jax.random.key(seed)
    k1, k2, k3, k4 = jax.random.split(key, 4)
    return {
        "src_node_states": jax.random.normal(k1, (N_NODES, D_FEAT), dtype=jnp.float32),
        "dst_node_states": jax.random.normal(k2, (N_NODES, D_FEAT), dtype=jnp.float32),
        "dst_index": jax.random.randint(k3, (N_EDGES,), 0, N_NODES, dtype=jnp.int32),
        "src_index": jax.random.randint(k4, (N_EDGES,), 0, N_NODES, dtype=jnp.int32),
        "edge_states": 0,  # falsy scalar -> apply_edge is identity (matches `if edge_state:` == False)
    }


def reference(src_node_states, dst_node_states, dst_index, src_index, edge_states):
    # Original forward (eval path): scatter -> apply_edge -> gather -> apply_node.
    # scatter: gather per-edge source-node features. In the torch module
    # src_node_states is treated as a tuple of node-state tensors; here it is a
    # single tensor, i.e. a one-element tuple.
    message = jnp.take(src_node_states, src_index, axis=0)  # [E, d_feat]
    # apply_edge: edge_states is falsy (None/0) -> message returned unchanged.
    # setup_inputs always passes edge_states == 0, so the identity path is the
    # statically-known branch; fold the traced scalar in as an exact no-op
    # (adds 0.0) so the dependence on edge_states stays expressed.
    message = message + jnp.asarray(edge_states, dtype=message.dtype) * 0.0
    # gather: in the torch module this just packages (message, dst_index);
    # apply_node is `pass` (returns None). The only real computation is the
    # per-edge gather, so we return the message tensor as the forward output.
    return message

if __name__ == "__main__":
    import jax
    _d = setup_inputs()
    print(jax.jit(kernel)(*tuple(_d.values())))

</pallas_src>

<mosaic_0001>
#map = affine_map<(d0, d1) -> (0, 0)>
#map1 = affine_map<(d0, d1) -> (0)>
module attributes {stable_mosaic.version = 14 : i64} {
  func.func @_gather_kernel(%arg0: i32, %arg1: i32, %arg2: memref<10000x128xf32, #tpu.memory_space<hbm>>, %arg3: memref<320000xi32, #tpu.memory_space<hbm>>, %arg4: memref<320000x128xf32, #tpu.memory_space<hbm>>, %arg5: memref<4x80xi32, #tpu.memory_space<vmem>>, %arg6: memref<4x80x128xf32, #tpu.memory_space<vmem>>, %arg7: memref<10000x128xf32, #tpu.memory_space<vmem_shared>>, %arg8: memref<4x!tpu.dma_semaphore, #tpu.memory_space<semaphore_mem>>, %arg9: memref<4x!tpu.dma_semaphore, #tpu.memory_space<semaphore_mem>>, %arg10: memref<4x!tpu.dma_semaphore, #tpu.memory_space<semaphore_mem>>, %arg11: memref<!tpu.dma_semaphore, #tpu.memory_space<semaphore_mem>>) attributes {dimension_semantics = [#tpu.dimension_semantics<core_parallel>, #tpu.dimension_semantics<subcore_parallel>], iteration_bounds = array<i64: 2, 16>, scalar_prefetch = 0 : i64, scratch_operands = 7 : i64, tpu.core_type = #tpu.core_type<sc_vector_subcore>, window_params = [{transform_indices = #map}, {transform_indices = #map1}, {transform_indices = #map}]} {
    %mul3A = arith.constant 2 : i32
    %mul3A_0 = arith.muli %arg1, %mul3A : i32
    %add3A = arith.addi %mul3A_0, %arg0 : i32
    %mul3A_1 = arith.constant 10000 : i32
    %mul3A_2 = arith.muli %add3A, %mul3A_1 : i32
    %add3A_3 = arith.constant 0 : i32
    %add3A_4 = arith.addi %mul3A_2, %add3A_3 : i32
    %dma_start3A = arith.constant 0 : i32
    %dma_start3A_5 = arith.constant 0 : i32
    %dma_start3A_6 = arith.constant 0 : i32
    %dma_start3A_7 = tpu.memref_slice %arg5[%dma_start3A, %dma_start3A_6] : memref<4x80xi32, #tpu.memory_space<vmem>> -> memref<1x80xi32, #tpu.memory_space<vmem>>
    %dma_start3A_8 = tpu.memref_squeeze %dma_start3A_7 : memref<1x80xi32, #tpu.memory_space<vmem>> -> memref<80xi32, #tpu.memory_space<vmem>>
    %dma_start3A_9 = tpu.memref_slice %arg3[%add3A_4] : memref<320000xi32, #tpu.memory_space<hbm>> -> memref<80xi32, #tpu.memory_space<hbm>>
    %dma_start3A_10 = tpu.memref_slice %arg8[%dma_start3A_5] : memref<4x!tpu.dma_semaphore, #tpu.memory_space<semaphore_mem>> -> memref<1x!tpu.dma_semaphore, #tpu.memory_space<semaphore_mem>>
    %dma_start3A_11 = tpu.memref_squeeze %dma_start3A_10 : memref<1x!tpu.dma_semaphore, #tpu.memory_space<semaphore_mem>> -> memref<!tpu.dma_semaphore, #tpu.memory_space<semaphore_mem>>
    %dma_start3A_12 = arith.constant 0 : i32
    %dma_start3A_13 = tpu.memref_slice %arg5[%dma_start3A, %dma_start3A_12] : memref<4x80xi32, #tpu.memory_space<vmem>> -> memref<1x80xi32, #tpu.memory_space<vmem>>
    %dma_start3A_14 = tpu.memref_squeeze %dma_start3A_13 : memref<1x80xi32, #tpu.memory_space<vmem>> -> memref<80xi32, #tpu.memory_space<vmem>>
    %dma_start3A_15 = tpu.memref_slice %arg3[%add3A_4] : memref<320000xi32, #tpu.memory_space<hbm>> -> memref<80xi32, #tpu.memory_space<hbm>>
    tpu.enqueue_dma source(%dma_start3A_15 : memref<80xi32, #tpu.memory_space<hbm>>) target(%dma_start3A_14 : memref<80xi32, #tpu.memory_space<vmem>>) target_semaphore(%dma_start3A_11 : memref<!tpu.dma_semaphore, #tpu.memory_space<semaphore_mem>>)
    %add3A_16 = arith.constant 80 : i32
    %add3A_17 = arith.addi %mul3A_2, %add3A_16 : i32
    %dma_start3A_18 = arith.constant 1 : i32
    %dma_start3A_19 = arith.constant 1 : i32
    %dma_start3A_20 = arith.constant 0 : i32
    %dma_start3A_21 = tpu.memref_slice %arg5[%dma_start3A_18, %dma_start3A_20] : memref<4x80xi32, #tpu.memory_space<vmem>> -> memref<1x80xi32, #tpu.memory_space<vmem>>
    %dma_start3A_22 = tpu.memref_squeeze %dma_start3A_21 : memref<1x80xi32, #tpu.memory_space<vmem>> -> memref<80xi32, #tpu.memory_space<vmem>>
    %dma_start3A_23 = tpu.memref_slice %arg3[%add3A_17] : memref<320000xi32, #tpu.memory_space<hbm>> -> memref<80xi32, #tpu.memory_space<hbm>>
    %dma_start3A_24 = tpu.memref_slice %arg8[%dma_start3A_19] : memref<4x!tpu.dma_semaphore, #tpu.memory_space<semaphore_mem>> -> memref<1x!tpu.dma_semaphore, #tpu.memory_space<semaphore_mem>>
    %dma_start3A_25 = tpu.memref_squeeze %dma_start3A_24 : memref<1x!tpu.dma_semaphore, #tpu.memory_space<semaphore_mem>> -> memref<!tpu.dma_semaphore, #tpu.memory_space<semaphore_mem>>
    %dma_start3A_26 = arith.constant 0 : i32
    %dma_start3A_27 = tpu.memref_slice %arg5[%dma_start3A_18, %dma_start3A_26] : memref<4x80xi32, #tpu.memory_space<vmem>> -> memref<1x80xi32, #tpu.memory_space<vmem>>
    %dma_start3A_28 = tpu.memref_squeeze %dma_start3A_27 : memref<1x80xi32, #tpu.memory_space<vmem>> -> memref<80xi32, #tpu.memory_space<vmem>>
    %dma_start3A_29 = tpu.memref_slice %arg3[%add3A_17] : memref<320000xi32, #tpu.memory_space<hbm>> -> memref<80xi32, #tpu.memory_space<hbm>>
    tpu.enqueue_dma source(%dma_start3A_29 : memref<80xi32, #tpu.memory_space<hbm>>) target(%dma_start3A_28 : memref<80xi32, #tpu.memory_space<vmem>>) target_semaphore(%dma_start3A_25 : memref<!tpu.dma_semaphore, #tpu.memory_space<semaphore_mem>>)
    %add3A_30 = arith.constant 160 : i32
    %add3A_31 = arith.addi %mul3A_2, %add3A_30 : i32
    %dma_start3A_32 = arith.constant 2 : i32
    %dma_start3A_33 = arith.constant 2 : i32
    %dma_start3A_34 = arith.constant 0 : i32
    %dma_start3A_35 = tpu.memref_slice %arg5[%dma_start3A_32, %dma_start3A_34] : memref<4x80xi32, #tpu.memory_space<vmem>> -> memref<1x80xi32, #tpu.memory_space<vmem>>
    %dma_start3A_36 = tpu.memref_squeeze %dma_start3A_35 : memref<1x80xi32, #tpu.memory_space<vmem>> -> memref<80xi32, #tpu.memory_space<vmem>>
    %dma_start3A_37 = tpu.memref_slice %arg3[%add3A_31] : memref<320000xi32, #tpu.memory_space<hbm>> -> memref<80xi32, #tpu.memory_space<hbm>>
    %dma_start3A_38 = tpu.memref_slice %arg8[%dma_start3A_33] : memref<4x!tpu.dma_semaphore, #tpu.memory_space<semaphore_mem>> -> memref<1x!tpu.dma_semaphore, #tpu.memory_space<semaphore_mem>>
    %dma_start3A_39 = tpu.memref_squeeze %dma_start3A_38 : memref<1x!tpu.dma_semaphore, #tpu.memory_space<semaphore_mem>> -> memref<!tpu.dma_semaphore, #tpu.memory_space<semaphore_mem>>
    %dma_start3A_40 = arith.constant 0 : i32
    %dma_start3A_41 = tpu.memref_slice %arg5[%dma_start3A_32, %dma_start3A_40] : memref<4x80xi32, #tpu.memory_space<vmem>> -> memref<1x80xi32, #tpu.memory_space<vmem>>
    %dma_start3A_42 = tpu.memref_squeeze %dma_start3A_41 : memref<1x80xi32, #tpu.memory_space<vmem>> -> memref<80xi32, #tpu.memory_space<vmem>>
    %dma_start3A_43 = tpu.memref_slice %arg3[%add3A_31] : memref<320000xi32, #tpu.memory_space<hbm>> -> memref<80xi32, #tpu.memory_space<hbm>>
    tpu.enqueue_dma source(%dma_start3A_43 : memref<80xi32, #tpu.memory_space<hbm>>) target(%dma_start3A_42 : memref<80xi32, #tpu.memory_space<vmem>>) target_semaphore(%dma_start3A_39 : memref<!tpu.dma_semaphore, #tpu.memory_space<semaphore_mem>>)
    %add3A_44 = arith.constant 240 : i32
    %add3A_45 = arith.addi %mul3A_2, %add3A_44 : i32
    %dma_start3A_46 = arith.constant 3 : i32
    %dma_start3A_47 = arith.constant 3 : i32
    %dma_start3A_48 = arith.constant 0 : i32
    %dma_start3A_49 = tpu.memref_slice %arg5[%dma_start3A_46, %dma_start3A_48] : memref<4x80xi32, #tpu.memory_space<vmem>> -> memref<1x80xi32, #tpu.memory_space<vmem>>
    %dma_start3A_50 = tpu.memref_squeeze %dma_start3A_49 : memref<1x80xi32, #tpu.memory_space<vmem>> -> memref<80xi32, #tpu.memory_space<vmem>>
    %dma_start3A_51 = tpu.memref_slice %arg3[%add3A_45] : memref<320000xi32, #tpu.memory_space<hbm>> -> memref<80xi32, #tpu.memory_space<hbm>>
    %dma_start3A_52 = tpu.memref_slice %arg8[%dma_start3A_47] : memref<4x!tpu.dma_semaphore, #tpu.memory_space<semaphore_mem>> -> memref<1x!tpu.dma_semaphore, #tpu.memory_space<semaphore_mem>>
    %dma_start3A_53 = tpu.memref_squeeze %dma_start3A_52 : memref<1x!tpu.dma_semaphore, #tpu.memory_space<semaphore_mem>> -> memref<!tpu.dma_semaphore, #tpu.memory_space<semaphore_mem>>
    %dma_start3A_54 = arith.constant 0 : i32
    %dma_start3A_55 = tpu.memref_slice %arg5[%dma_start3A_46, %dma_start3A_54] : memref<4x80xi32, #tpu.memory_space<vmem>> -> memref<1x80xi32, #tpu.memory_space<vmem>>
    %dma_start3A_56 = tpu.memref_squeeze %dma_start3A_55 : memref<1x80xi32, #tpu.memory_space<vmem>> -> memref<80xi32, #tpu.memory_space<vmem>>
    %dma_start3A_57 = tpu.memref_slice %arg3[%add3A_45] : memref<320000xi32, #tpu.memory_space<hbm>> -> memref<80xi32, #tpu.memory_space<hbm>>
    tpu.enqueue_dma source(%dma_start3A_57 : memref<80xi32, #tpu.memory_space<hbm>>) target(%dma_start3A_56 : memref<80xi32, #tpu.memory_space<vmem>>) target_semaphore(%dma_start3A_53 : memref<!tpu.dma_semaphore, #tpu.memory_space<semaphore_mem>>)
    %eq3A = arith.constant 15 : i32
    %eq3A_58 = arith.cmpi eq, %arg1, %eq3A : i32
    %mul3A_59 = arith.constant 640 : i32
    %mul3A_60 = arith.muli %arg1, %mul3A_59 : i32
    %jit3A = arith.constant 9360 : i32
    %select_n3A = arith.select %eq3A_58, %jit3A, %mul3A_60 : i32
    %multiple_of3A = tpu.assume_multiple %select_n3A, 16 : i32
    %dma_start3A_61 = arith.constant 0 : i32
    %dma_start3A_62 = tpu.memref_slice %arg7[%multiple_of3A, %dma_start3A_61] : memref<10000x128xf32, #tpu.memory_space<vmem_shared>> -> memref<640x128xf32, #tpu.memory_space<vmem_shared>>
    %dma_start3A_63 = arith.constant 0 : i32
    %dma_start3A_64 = tpu.memref_slice %arg2[%multiple_of3A, %dma_start3A_63] : memref<10000x128xf32, #tpu.memory_space<hbm>> -> memref<640x128xf32, #tpu.memory_space<hbm>>
    tpu.enqueue_dma source(%dma_start3A_64 : memref<640x128xf32, #tpu.memory_space<hbm>>) target(%dma_start3A_62 : memref<640x128xf32, #tpu.memory_space<vmem_shared>>) target_semaphore(%arg11 : memref<!tpu.dma_semaphore, #tpu.memory_space<semaphore_mem>>)
    %dma_wait3A = arith.constant 0 : i32
    %dma_wait3A_65 = arith.constant 0 : i32
    %dma_wait3A_66 = arith.constant 0 : i32
    %dma_wait3A_67 = tpu.memref_slice %arg5[%dma_wait3A, %dma_wait3A_66] : memref<4x80xi32, #tpu.memory_space<vmem>> -> memref<1x80xi32, #tpu.memory_space<vmem>>
    %dma_wait3A_68 = tpu.memref_squeeze %dma_wait3A_67 : memref<1x80xi32, #tpu.memory_space<vmem>> -> memref<80xi32, #tpu.memory_space<vmem>>
    %dma_wait3A_69 = arith.constant 0 : i32
    %dma_wait3A_70 = tpu.memref_slice %arg3[%dma_wait3A_69] : memref<320000xi32, #tpu.memory_space<hbm>> -> memref<80xi32, #tpu.memory_space<hbm>>
    %dma_wait3A_71 = tpu.memref_slice %arg8[%dma_wait3A_65] : memref<4x!tpu.dma_semaphore, #tpu.memory_space<semaphore_mem>> -> memref<1x!tpu.dma_semaphore, #tpu.memory_space<semaphore_mem>>
    %dma_wait3A_72 = tpu.memref_squeeze %dma_wait3A_71 : memref<1x!tpu.dma_semaphore, #tpu.memory_space<semaphore_mem>> -> memref<!tpu.dma_semaphore, #tpu.memory_space<semaphore_mem>>
    %dma_wait3A_73 = arith.constant 0 : i32
    %dma_wait3A_74 = tpu.memref_slice %arg5[%dma_wait3A, %dma_wait3A_73] : memref<4x80xi32, #tpu.memory_space<vmem>> -> memref<1x80xi32, #tpu.memory_space<vmem>>
    %dma_wait3A_75 = tpu.memref_squeeze %dma_wait3A_74 : memref<1x80xi32, #tpu.memory_space<vmem>> -> memref<80xi32, #tpu.memory_space<vmem>>
    %dma_wait3A_76 = arith.constant 0 : i32
    %dma_wait3A_77 = tpu.memref_slice %arg3[%dma_wait3A_76] : memref<320000xi32, #tpu.memory_space<hbm>> -> memref<80xi32, #tpu.memory_space<hbm>>
    tpu.wait_dma2 semaphore(%dma_wait3A_72 : memref<!tpu.dma_semaphore, #tpu.memory_space<semaphore_mem>>) src(%dma_wait3A_77 : memref<80xi32, #tpu.memory_space<hbm>>) dst(%dma_wait3A_75 : memref<80xi32, #tpu.memory_space<vmem>>)
    %dma_start3A_78 = arith.constant 0 : i32
    %dma_start3A_79 = arith.constant 0 : i32
    %dma_start3A_80 = arith.constant 0 : i32
    %dma_start3A_81 = arith.constant 0 : i32
    %dma_start3A_82 = arith.constant 0 : i32
    %dma_start3A_83 = tpu.memref_slice %arg6[%dma_start3A_79, %dma_start3A_81, %dma_start3A_82] : memref<4x80x128xf32, #tpu.memory_space<vmem>> -> memref<1x80x128xf32, #tpu.memory_space<vmem>>
    %dma_start3A_84 = tpu.memref_squeeze %dma_start3A_83 : memref<1x80x128xf32, #tpu.memory_space<vmem>> -> memref<80x128xf32, #tpu.memory_space<vmem>>
    %dma_start3A_85 = arith.constant 0 : i32
    %dma_start3A_86 = tpu.memref_slice %arg5[%dma_start3A_78, %dma_start3A_85] : memref<4x80xi32, #tpu.memory_space<vmem>> -> memref<1x80xi32, #tpu.memory_space<vmem>>
    %dma_start3A_87 = tpu.memref_squeeze %dma_start3A_86 : memref<1x80xi32, #tpu.memory_space<vmem>> -> memref<80xi32, #tpu.memory_space<vmem>>
    %dma_start3A_88 = arith.constant 0 : i32
    %dma_start3A_89 = arith.constant 0 : i32
    %dma_start3A_90 = tpu.memref_slice %arg2[%dma_start3A_88, %dma_start3A_89] : memref<10000x128xf32, #tpu.memory_space<hbm>> -> memref<10000x128xf32, #tpu.memory_space<hbm>>
    %dma_start3A_91 = tpu.memref_slice %arg9[%dma_start3A_80] : memref<4x!tpu.dma_semaphore, #tpu.memory_space<semaphore_mem>> -> memref<1x!tpu.dma_semaphore, #tpu.memory_space<semaphore_mem>>
    %dma_start3A_92 = tpu.memref_squeeze %dma_start3A_91 : memref<1x!tpu.dma_semaphore, #tpu.memory_space<semaphore_mem>> -> memref<!tpu.dma_semaphore, #tpu.memory_space<semaphore_mem>>
    tpu.enqueue_indirect_dma source(%dma_start3A_90 : memref<10000x128xf32, #tpu.memory_space<hbm>>) target(%dma_start3A_84 : memref<80x128xf32, #tpu.memory_space<vmem>>) offsets(%dma_start3A_87 : memref<80xi32, #tpu.memory_space<vmem>>) semaphore(%dma_start3A_92 : memref<!tpu.dma_semaphore, #tpu.memory_space<semaphore_mem>>)
    %dma_wait3A_93 = arith.constant 1 : i32
    %dma_wait3A_94 = arith.constant 1 : i32
    %dma_wait3A_95 = arith.constant 0 : i32
    %dma_wait3A_96 = tpu.memref_slice %arg5[%dma_wait3A_93, %dma_wait3A_95] : memref<4x80xi32, #tpu.memory_space<vmem>> -> memref<1x80xi32, #tpu.memory_space<vmem>>
    %dma_wait3A_97 = tpu.memref_squeeze %dma_wait3A_96 : memref<1x80xi32, #tpu.memory_space<vmem>> -> memref<80xi32, #tpu.memory_space<vmem>>
    %dma_wait3A_98 = arith.constant 0 : i32
    %dma_wait3A_99 = tpu.memref_slice %arg3[%dma_wait3A_98] : memref<320000xi32, #tpu.memory_space<hbm>> -> memref<80xi32, #tpu.memory_space<hbm>>
    %dma_wait3A_100 = tpu.memref_slice %arg8[%dma_wait3A_94] : memref<4x!tpu.dma_semaphore, #tpu.memory_space<semaphore_mem>> -> memref<1x!tpu.dma_semaphore, #tpu.memory_space<semaphore_mem>>
    %dma_wait3A_101 = tpu.memref_squeeze %dma_wait3A_100 : memref<1x!tpu.dma_semaphore, #tpu.memory_space<semaphore_mem>> -> memref<!tpu.dma_semaphore, #tpu.memory_space<semaphore_mem>>
    %dma_wait3A_102 = arith.constant 0 : i32
    %dma_wait3A_103 = tpu.memref_slice %arg5[%dma_wait3A_93, %dma_wait3A_102] : memref<4x80xi32, #tpu.memory_space<vmem>> -> memref<1x80xi32, #tpu.memory_space<vmem>>
    %dma_wait3A_104 = tpu.memref_squeeze %dma_wait3A_103 : memref<1x80xi32, #tpu.memory_space<vmem>> -> memref<80xi32, #tpu.memory_space<vmem>>
    %dma_wait3A_105 = arith.constant 0 : i32
    %dma_wait3A_106 = tpu.memref_slice %arg3[%dma_wait3A_105] : memref<320000xi32, #tpu.memory_space<hbm>> -> memref<80xi32, #tpu.memory_space<hbm>>
    tpu.wait_dma2 semaphore(%dma_wait3A_101 : memref<!tpu.dma_semaphore, #tpu.memory_space<semaphore_mem>>) src(%dma_wait3A_106 : memref<80xi32, #tpu.memory_space<hbm>>) dst(%dma_wait3A_104 : memref<80xi32, #tpu.memory_space<vmem>>)
    %dma_start3A_107 = arith.constant 1 : i32
    %dma_start3A_108 = arith.constant 1 : i32
    %dma_start3A_109 = arith.constant 1 : i32
    %dma_start3A_110 = arith.constant 0 : i32
    %dma_start3A_111 = arith.constant 0 : i32
    %dma_start3A_112 = tpu.memref_slice %arg6[%dma_start3A_108, %dma_start3A_110, %dma_start3A_111] : memref<4x80x128xf32, #tpu.memory_space<vmem>> -> memref<1x80x128xf32, #tpu.memory_space<vmem>>
    %dma_start3A_113 = tpu.memref_squeeze %dma_start3A_112 : memref<1x80x128xf32, #tpu.memory_space<vmem>> -> memref<80x128xf32, #tpu.memory_space<vmem>>
    %dma_start3A_114 = arith.constant 0 : i32
    %dma_start3A_115 = tpu.memref_slice %arg5[%dma_start3A_107, %dma_start3A_114] : memref<4x80xi32, #tpu.memory_space<vmem>> -> memref<1x80xi32, #tpu.memory_space<vmem>>
    %dma_start3A_116 = tpu.memref_squeeze %dma_start3A_115 : memref<1x80xi32, #tpu.memory_space<vmem>> -> memref<80xi32, #tpu.memory_space<vmem>>
    %dma_start3A_117 = arith.constant 0 : i32
    %dma_start3A_118 = arith.constant 0 : i32
    %dma_start3A_119 = tpu.memref_slice %arg2[%dma_start3A_117, %dma_start3A_118] : memref<10000x128xf32, #tpu.memory_space<hbm>> -> memref<10000x128xf32, #tpu.memory_space<hbm>>
    %dma_start3A_120 = tpu.memref_slice %arg9[%dma_start3A_109] : memref<4x!tpu.dma_semaphore, #tpu.memory_space<semaphore_mem>> -> memref<1x!tpu.dma_semaphore, #tpu.memory_space<semaphore_mem>>
    %dma_start3A_121 = tpu.memref_squeeze %dma_start3A_120 : memref<1x!tpu.dma_semaphore, #tpu.memory_space<semaphore_mem>> -> memref<!tpu.dma_semaphore, #tpu.memory_space<semaphore_mem>>
    tpu.enqueue_indirect_dma source(%dma_start3A_119 : memref<10000x128xf32, #tpu.memory_space<hbm>>) target(%dma_start3A_113 : memref<80x128xf32, #tpu.memory_space<vmem>>) offsets(%dma_start3A_116 : memref<80xi32, #tpu.memory_space<vmem>>) semaphore(%dma_start3A_121 : memref<!tpu.dma_semaphore, #tpu.memory_space<semaphore_mem>>)
    %scan3A = arith.constant 0 : i32
    %scan3A_122 = arith.constant 0 : i32
    %scan3A_123 = arith.constant 2 : i32
    %scan3A_124 = arith.addi %scan3A_122, %scan3A_123 : i32
    %scan3A_125 = arith.constant 1 : i32
    scf.for %scan3A_224 = %scan3A_122 to %scan3A_124 step %scan3A_125  : i32 {
      %mul3A_225 = arith.constant 4 : i32
      %mul3A_226 = arith.muli %scan3A_224, %mul3A_225 : i32
      %add3A_227 = arith.constant 0 : i32
      %add3A_228 = arith.addi %mul3A_226, %add3A_227 : i32
      %gt3A = arith.constant 0 : i32
      %gt3A_229 = arith.cmpi sgt, %scan3A_224, %gt3A : i32
      %convert_element_type3A = arith.extui %gt3A_229 : i1 to i32
      %cond3A = arith.constant 0 : i32
      %cond3A_230 = arith.cmpi ne, %convert_element_type3A, %cond3A : i32
      scf.if %cond3A_230 {
        %dma_wait3A_543 = arith.constant 2 : i32
        %dma_wait3A_544 = arith.constant 2 : i32
        %dma_wait3A_545 = arith.constant 0 : i32
        %dma_wait3A_546 = arith.constant 0 : i32
        %dma_wait3A_547 = tpu.memref_slice %arg6[%dma_wait3A_543, %dma_wait3A_545, %dma_wait3A_546] : memref<4x80x128xf32, #tpu.memory_space<vmem>> -> memref<1x80x128xf32, #tpu.memory_space<vmem>>
        %dma_wait3A_548 = tpu.memref_squeeze %dma_wait3A_547 : memref<1x80x128xf32, #tpu.memory_space<vmem>> -> memref<80x128xf32, #tpu.memory_space<vmem>>
        %dma_wait3A_549 = arith.constant 0 : i32
        %dma_wait3A_550 = arith.constant 0 : i32
        %dma_wait3A_551 = tpu.memref_slice %arg4[%dma_wait3A_549, %dma_wait3A_550] : memref<320000x128xf32, #tpu.memory_space<hbm>> -> memref<80x128xf32, #tpu.memory_space<hbm>>
        %dma_wait3A_552 = tpu.memref_slice %arg10[%dma_wait3A_544] : memref<4x!tpu.dma_semaphore, #tpu.memory_space<semaphore_mem>> -> memref<1x!tpu.dma_semaphore, #tpu.memory_space<semaphore_mem>>
        %dma_wait3A_553 = tpu.memref_squeeze %dma_wait3A_552 : memref<1x!tpu.dma_semaphore, #tpu.memory_space<semaphore_mem>> -> memref<!tpu.dma_semaphore, #tpu.memory_space<semaphore_mem>>
        %dma_wait3A_554 = arith.constant 0 : i32
        %dma_wait3A_555 = arith.constant 0 : i32
        %dma_wait3A_556 = tpu.memref_slice %arg4[%dma_wait3A_554, %dma_wait3A_555] : memref<320000x128xf32, #tpu.memory_space<hbm>> -> memref<80x128xf32, #tpu.memory_space<hbm>>
        %dma_wait3A_557 = arith.constant 0 : i32
        %dma_wait3A_558 = arith.constant 0 : i32
        %dma_wait3A_559 = tpu.memref_slice %arg6[%dma_wait3A_543, %dma_wait3A_557, %dma_wait3A_558] : memref<4x80x128xf32, #tpu.memory_space<vmem>> -> memref<1x80x128xf32, #tpu.memory_space<vmem>>
        %dma_wait3A_560 = tpu.memref_squeeze %dma_wait3A_559 : memref<1x80x128xf32, #tpu.memory_space<vmem>> -> memref<80x128xf32, #tpu.memory_space<vmem>>
        tpu.wait_dma2 semaphore(%dma_wait3A_553 : memref<!tpu.dma_semaphore, #tpu.memory_space<semaphore_mem>>) src(%dma_wait3A_560 : memref<80x128xf32, #tpu.memory_space<vmem>>) dst(%dma_wait3A_556 : memref<80x128xf32, #tpu.memory_space<hbm>>)
      } else {
      }
      %dma_wait3A_231 = arith.constant 2 : i32
      %dma_wait3A_232 = arith.constant 2 : i32
      %dma_wait3A_233 = arith.constant 0 : i32
      %dma_wait3A_234 = tpu.memref_slice %arg5[%dma_wait3A_231, %dma_wait3A_233] : memref<4x80xi32, #tpu.memory_space<vmem>> -> memref<1x80xi32, #tpu.memory_space<vmem>>
      %dma_wait3A_235 = tpu.memref_squeeze %dma_wait3A_234 : memref<1x80xi32, #tpu.memory_space<vmem>> -> memref<80xi32, #tpu.memory_space<vmem>>
      %dma_wait3A_236 = arith.constant 0 : i32
      %dma_wait3A_237 = tpu.memref_slice %arg3[%dma_wait3A_236] : memref<320000xi32, #tpu.memory_space<hbm>> -> memref<80xi32, #tpu.memory_space<hbm>>
      %dma_wait3A_238 = tpu.memref_slice %arg8[%dma_wait3A_232] : memref<4x!tpu.dma_semaphore, #tpu.memory_space<semaphore_mem>> -> memref<1x!tpu.dma_semaphore, #tpu.memory_space<semaphore_mem>>
      %dma_wait3A_239 = tpu.memref_squeeze %dma_wait3A_238 : memref<1x!tpu.dma_semaphore, #tpu.memory_space<semaphore_mem>> -> memref<!tpu.dma_semaphore, #tpu.memory_space<semaphore_mem>>
      %dma_wait3A_240 = arith.constant 0 : i32
      %dma_wait3A_241 = tpu.memref_slice %arg5[%dma_wait3A_231, %dma_wait3A_240] : memref<4x80xi32, #tpu.memory_space<vmem>> -> memref<1x80xi32, #tpu.memory_space<vmem>>
      %dma_wait3A_242 = tpu.memref_squeeze %dma_wait3A_241 : memref<1x80xi32, #tpu.memory_space<vmem>> -> memref<80xi32, #tpu.memory_space<vmem>>
      %dma_wait3A_243 = arith.constant 0 : i32
      %dma_wait3A_244 = tpu.memref_slice %arg3[%dma_wait3A_243] : memref<320000xi32, #tpu.memory_space<hbm>> -> memref<80xi32, #tpu.memory_space<hbm>>
      tpu.wait_dma2 semaphore(%dma_wait3A_239 : memref<!tpu.dma_semaphore, #tpu.memory_space<semaphore_mem>>) src(%dma_wait3A_244 : memref<80xi32, #tpu.memory_space<hbm>>) dst(%dma_wait3A_242 : memref<80xi32, #tpu.memory_space<vmem>>)
      %dma_start3A_245 = arith.constant 2 : i32
      %dma_start3A_246 = arith.constant 2 : i32
      %dma_start3A_247 = arith.constant 2 : i32
      %dma_start3A_248 = arith.constant 0 : i32
      %dma_start3A_249 = arith.constant 0 : i32
      %dma_start3A_250 = tpu.memref_slice %arg6[%dma_start3A_246, %dma_start3A_248, %dma_start3A_249] : memref<4x80x128xf32, #tpu.memory_space<vmem>> -> memref<1x80x128xf32, #tpu.memory_space<vmem>>
      %dma_start3A_251 = tpu.memref_squeeze %dma_start3A_250 : memref<1x80x128xf32, #tpu.memory_space<vmem>> -> memref<80x128xf32, #tpu.memory_space<vmem>>
      %dma_start3A_252 = arith.constant 0 : i32
      %dma_start3A_253 = tpu.memref_slice %arg5[%dma_start3A_245, %dma_start3A_252] : memref<4x80xi32, #tpu.memory_space<vmem>> -> memref<1x80xi32, #tpu.memory_space<vmem>>
      %dma_start3A_254 = tpu.memref_squeeze %dma_start3A_253 : memref<1x80xi32, #tpu.memory_space<vmem>> -> memref<80xi32, #tpu.memory_space<vmem>>
      %dma_start3A_255 = arith.constant 0 : i32
      %dma_start3A_256 = arith.constant 0 : i32
      %dma_start3A_257 = tpu.memref_slice %arg2[%dma_start3A_255, %dma_start3A_256] : memref<10000x128xf32, #tpu.memory_space<hbm>> -> memref<10000x128xf32, #tpu.memory_space<hbm>>
      %dma_start3A_258 = tpu.memref_slice %arg9[%dma_start3A_247] : memref<4x!tpu.dma_semaphore, #tpu.memory_space<semaphore_mem>> -> memref<1x!tpu.dma_semaphore, #tpu.memory_space<semaphore_mem>>
      %dma_start3A_259 = tpu.memref_squeeze %dma_start3A_258 : memref<1x!tpu.dma_semaphore, #tpu.memory_space<semaphore_mem>> -> memref<!tpu.dma_semaphore, #tpu.memory_space<semaphore_mem>>
      tpu.enqueue_indirect_dma source(%dma_start3A_257 : memref<10000x128xf32, #tpu.memory_space<hbm>>) target(%dma_start3A_251 : memref<80x128xf32, #tpu.memory_space<vmem>>) offsets(%dma_start3A_254 : memref<80xi32, #tpu.memory_space<vmem>>) semaphore(%dma_start3A_259 : memref<!tpu.dma_semaphore, #tpu.memory_space<semaphore_mem>>)
      %dma_wait3A_260 = arith.constant 0 : i32
      %dma_wait3A_261 = arith.constant 0 : i32
      %dma_wait3A_262 = arith.constant 0 : i32
      %dma_wait3A_263 = arith.constant 0 : i32
      %dma_wait3A_264 = arith.constant 0 : i32
      %dma_wait3A_265 = tpu.memref_slice %arg6[%dma_wait3A_261, %dma_wait3A_263, %dma_wait3A_264] : memref<4x80x128xf32, #tpu.memory_space<vmem>> -> memref<1x80x128xf32, #tpu.memory_space<vmem>>
      %dma_wait3A_266 = tpu.memref_squeeze %dma_wait3A_265 : memref<1x80x128xf32, #tpu.memory_space<vmem>> -> memref<80x128xf32, #tpu.memory_space<vmem>>
      %dma_wait3A_267 = arith.constant 0 : i32
      %dma_wait3A_268 = tpu.memref_slice %arg5[%dma_wait3A_260, %dma_wait3A_267] : memref<4x80xi32, #tpu.memory_space<vmem>> -> memref<1x80xi32, #tpu.memory_space<vmem>>
      %dma_wait3A_269 = tpu.memref_squeeze %dma_wait3A_268 : memref<1x80xi32, #tpu.memory_space<vmem>> -> memref<80xi32, #tpu.memory_space<vmem>>
      %dma_wait3A_270 = arith.constant 0 : i32
      %dma_wait3A_271 = arith.constant 0 : i32
      %dma_wait3A_272 = tpu.memref_slice %arg7[%dma_wait3A_270, %dma_wait3A_271] : memref<10000x128xf32, #tpu.memory_space<vmem_shared>> -> memref<10000x128xf32, #tpu.memory_space<vmem_shared>>
      %dma_wait3A_273 = tpu.memref_slice %arg9[%dma_wait3A_262] : memref<4x!tpu.dma_semaphore, #tpu.memory_space<semaphore_mem>> -> memref<1x!tpu.dma_semaphore, #tpu.memory_space<semaphore_mem>>
      %dma_wait3A_274 = tpu.memref_squeeze %dma_wait3A_273 : memref<1x!tpu.dma_semaphore, #tpu.memory_space<semaphore_mem>> -> memref<!tpu.dma_semaphore, #tpu.memory_space<semaphore_mem>>
      tpu.wait_indirect_dma semaphore(%dma_wait3A_274 : memref<!tpu.dma_semaphore, #tpu.memory_space<semaphore_mem>>) src(%dma_wait3A_272 : memref<10000x128xf32, #tpu.memory_space<vmem_shared>>) dst(%dma_wait3A_266 : memref<80x128xf32, #tpu.memory_space<vmem>>)
      %mul3A_275 = arith.constant 80 : i32
      %mul3A_276 = arith.muli %add3A_228, %mul3A_275 : i32
      %add3A_277 = arith.addi %mul3A_2, %mul3A_276 : i32
      %dma_start3A_278 = arith.constant 0 : i32
      %dma_start3A_279 = arith.constant 0 : i32
      %dma_start3A_280 = arith.constant 0 : i32
      %dma_start3A_281 = arith.constant 0 : i32
      %dma_start3A_282 = tpu.memref_slice %arg6[%dma_start3A_278, %dma_start3A_280, %dma_start3A_281] : memref<4x80x128xf32, #tpu.memory_space<vmem>> -> memref<1x80x128xf32, #tpu.memory_space<vmem>>
      %dma_start3A_283 = tpu.memref_squeeze %dma_start3A_282 : memref<1x80x128xf32, #tpu.memory_space<vmem>> -> memref<80x128xf32, #tpu.memory_space<vmem>>
      %dma_start3A_284 = arith.constant 0 : i32
      %dma_start3A_285 = tpu.memref_slice %arg4[%add3A_277, %dma_start3A_284] : memref<320000x128xf32, #tpu.memory_space<hbm>> -> memref<80x128xf32, #tpu.memory_space<hbm>>
      %dma_start3A_286 = tpu.memref_slice %arg10[%dma_start3A_279] : memref<4x!tpu.dma_semaphore, #tpu.memory_space<semaphore_mem>> -> memref<1x!tpu.dma_semaphore, #tpu.memory_space<semaphore_mem>>
      %dma_start3A_287 = tpu.memref_squeeze %dma_start3A_286 : memref<1x!tpu.dma_semaphore, #tpu.memory_space<semaphore_mem>> -> memref<!tpu.dma_semaphore, #tpu.memory_space<semaphore_mem>>
      %dma_start3A_288 = arith.constant 0 : i32
      %dma_start3A_289 = tpu.memref_slice %arg4[%add3A_277, %dma_start3A_288] : memref<320000x128xf32, #tpu.memory_space<hbm>> -> memref<80x128xf32, #tpu.memory_space<hbm>>
      %dma_start3A_290 = arith.constant 0 : i32
      %dma_start3A_291 = arith.constant 0 : i32
      %dma_start3A_292 = tpu.memref_slice %arg6[%dma_start3A_278, %dma_start3A_290, %dma_start3A_291] : memref<4x80x128xf32, #tpu.memory_space<vmem>> -> memref<1x80x128xf32, #tpu.memory_space<vmem>>
      %dma_start3A_293 = tpu.memref_squeeze %dma_start3A_292 : memref<1x80x128xf32, #tpu.memory_space<vmem>> -> memref<80x128xf32, #tpu.memory_space<vmem>>
      tpu.enqueue_dma source(%dma_start3A_293 : memref<80x128xf32, #tpu.memory_space<vmem>>) target(%dma_start3A_289 : memref<80x128xf32, #tpu.memory_space<hbm>>) target_semaphore(%dma_start3A_287 : memref<!tpu.dma_semaphore, #tpu.memory_space<semaphore_mem>>)
      %add3A_294 = arith.constant 4 : i32
      %add3A_295 = arith.addi %add3A_228, %add3A_294 : i32
      %mul3A_296 = arith.constant 80 : i32
      %mul3A_297 = arith.muli %add3A_295, %mul3A_296 : i32
      %add3A_298 = arith.addi %mul3A_2, %mul3A_297 : i32
      %dma_start3A_299 = arith.constant 0 : i32
      %dma_start3A_300 = arith.constant 0 : i32
      %dma_start3A_301 = arith.constant 0 : i32
      %dma_start3A_302 = tpu.memref_slice %arg5[%dma_start3A_299, %dma_start3A_301] : memref<4x80xi32, #tpu.memory_space<vmem>> -> memref<1x80xi32, #tpu.memory_space<vmem>>
      %dma_start3A_303 = tpu.memref_squeeze %dma_start3A_302 : memref<1x80xi32, #tpu.memory_space<vmem>> -> memref<80xi32, #tpu.memory_space<vmem>>
      %dma_start3A_304 = tpu.memref_slice %arg3[%add3A_298] : memref<320000xi32, #tpu.memory_space<hbm>> -> memref<80xi32, #tpu.memory_space<hbm>>
      %dma_start3A_305 = tpu.memref_slice %arg8[%dma_start3A_300] : memref<4x!tpu.dma_semaphore, #tpu.memory_space<semaphore_mem>> -> memref<1x!tpu.dma_semaphore, #tpu.memory_space<semaphore_mem>>
      %dma_start3A_306 = tpu.memref_squeeze %dma_start3A_305 : memref<1x!tpu.dma_semaphore, #tpu.memory_space<semaphore_mem>> -> memref<!tpu.dma_semaphore, #tpu.memory_space<semaphore_mem>>
      %dma_start3A_307 = arith.constant 0 : i32
      %dma_start3A_308 = tpu.memref_slice %arg5[%dma_start3A_299, %dma_start3A_307] : memref<4x80xi32, #tpu.memory_space<vmem>> -> memref<1x80xi32, #tpu.memory_space<vmem>>
      %dma_start3A_309 = tpu.memref_squeeze %dma_start3A_308 : memref<1x80xi32, #tpu.memory_space<vmem>> -> memref<80xi32, #tpu.memory_space<vmem>>
      %dma_start3A_310 = tpu.memref_slice %arg3[%add3A_298] : memref<320000xi32, #tpu.memory_space<hbm>> -> memref<80xi32, #tpu.memory_space<hbm>>
      tpu.enqueue_dma source(%dma_start3A_310 : memref<80xi32, #tpu.memory_space<hbm>>) target(%dma_start3A_309 : memref<80xi32, #tpu.memory_space<vmem>>) target_semaphore(%dma_start3A_306 : memref<!tpu.dma_semaphore, #tpu.memory_space<semaphore_mem>>)
      %mul3A_311 = arith.constant 4 : i32
      %mul3A_312 = arith.muli %scan3A_224, %mul3A_311 : i32
      %add3A_313 = arith.constant 1 : i32
      %add3A_314 = arith.addi %mul3A_312, %add3A_313 : i32
      %gt3A_315 = arith.constant 0 : i32
      %gt3A_316 = arith.cmpi sgt, %scan3A_224, %gt3A_315 : i32
      %convert_element_type3A_317 = arith.extui %gt3A_316 : i1 to i32
      %cond3A_318 = arith.constant 0 : i32
      %cond3A_319 = arith.cmpi ne, %convert_element_type3A_317, %cond3A_318 : i32
      scf.if %cond3A_319 {
        %dma_wait3A_543 = arith.constant 3 : i32
        %dma_wait3A_544 = arith.constant 3 : i32
        %dma_wait3A_545 = arith.constant 0 : i32
        %dma_wait3A_546 = arith.constant 0 : i32
        %dma_wait3A_547 = tpu.memref_slice %arg6[%dma_wait3A_543, %dma_wait3A_545, %dma_wait3A_546] : memref<4x80x128xf32, #tpu.memory_space<vmem>> -> memref<1x80x128xf32, #tpu.memory_space<vmem>>
        %dma_wait3A_548 = tpu.memref_squeeze %dma_wait3A_547 : memref<1x80x128xf32, #tpu.memory_space<vmem>> -> memref<80x128xf32, #tpu.memory_space<vmem>>
        %dma_wait3A_549 = arith.constant 0 : i32
        %dma_wait3A_550 = arith.constant 0 : i32
        %dma_wait3A_551 = tpu.memref_slice %arg4[%dma_wait3A_549, %dma_wait3A_550] : memref<320000x128xf32, #tpu.memory_space<hbm>> -> memref<80x128xf32, #tpu.memory_space<hbm>>
        %dma_wait3A_552 = tpu.memref_slice %arg10[%dma_wait3A_544] : memref<4x!tpu.dma_semaphore, #tpu.memory_space<semaphore_mem>> -> memref<1x!tpu.dma_semaphore, #tpu.memory_space<semaphore_mem>>
        %dma_wait3A_553 = tpu.memref_squeeze %dma_wait3A_552 : memref<1x!tpu.dma_semaphore, #tpu.memory_space<semaphore_mem>> -> memref<!tpu.dma_semaphore, #tpu.memory_space<semaphore_mem>>
        %dma_wait3A_554 = arith.constant 0 : i32
        %dma_wait3A_555 = arith.constant 0 : i32
        %dma_wait3A_556 = tpu.memref_slice %arg4[%dma_wait3A_554, %dma_wait3A_555] : memref<320000x128xf32, #tpu.memory_space<hbm>> -> memref<80x128xf32, #tpu.memory_space<hbm>>
        %dma_wait3A_557 = arith.constant 0 : i32
        %dma_wait3A_558 = arith.constant 0 : i32
        %dma_wait3A_559 = tpu.memref_slice %arg6[%dma_wait3A_543, %dma_wait3A_557, %dma_wait3A_558] : memref<4x80x128xf32, #tpu.memory_space<vmem>> -> memref<1x80x128xf32, #tpu.memory_space<vmem>>
        %dma_wait3A_560 = tpu.memref_squeeze %dma_wait3A_559 : memref<1x80x128xf32, #tpu.memory_space<vmem>> -> memref<80x128xf32, #tpu.memory_space<vmem>>
        tpu.wait_dma2 semaphore(%dma_wait3A_553 : memref<!tpu.dma_semaphore, #tpu.memory_space<semaphore_mem>>) src(%dma_wait3A_560 : memref<80x128xf32, #tpu.memory_space<vmem>>) dst(%dma_wait3A_556 : memref<80x128xf32, #tpu.memory_space<hbm>>)
      } else {
      }
      %dma_wait3A_320 = arith.constant 3 : i32
      %dma_wait3A_321 = arith.constant 3 : i32
      %dma_wait3A_322 = arith.constant 0 : i32
      %dma_wait3A_323 = tpu.memref_slice %arg5[%dma_wait3A_320, %dma_wait3A_322] : memref<4x80xi32, #tpu.memory_space<vmem>> -> memref<1x80xi32, #tpu.memory_space<vmem>>
      %dma_wait3A_324 = tpu.memref_squeeze %dma_wait3A_323 : memref<1x80xi32, #tpu.memory_space<vmem>> -> memref<80xi32, #tpu.memory_space<vmem>>
      %dma_wait3A_325 = arith.constant 0 : i32
      %dma_wait3A_326 = tpu.memref_slice %arg3[%dma_wait3A_325] : memref<320000xi32, #tpu.memory_space<hbm>> -> memref<80xi32, #tpu.memory_space<hbm>>
      %dma_wait3A_327 = tpu.memref_slice %arg8[%dma_wait3A_321] : memref<4x!tpu.dma_semaphore, #tpu.memory_space<semaphore_mem>> -> memref<1x!tpu.dma_semaphore, #tpu.memory_space<semaphore_mem>>
      %dma_wait3A_328 = tpu.memref_squeeze %dma_wait3A_327 : memref<1x!tpu.dma_semaphore, #tpu.memory_space<semaphore_mem>> -> memref<!tpu.dma_semaphore, #tpu.memory_space<semaphore_mem>>
      %dma_wait3A_329 = arith.constant 0 : i32
      %dma_wait3A_330 = tpu.memref_slice %arg5[%dma_wait3A_320, %dma_wait3A_329] : memref<4x80xi32, #tpu.memory_space<vmem>> -> memref<1x80xi32, #tpu.memory_space<vmem>>
      %dma_wait3A_331 = tpu.memref_squeeze %dma_wait3A_330 : memref<1x80xi32, #tpu.memory_space<vmem>> -> memref<80xi32, #tpu.memory_space<vmem>>
      %dma_wait3A_332 = arith.constant 0 : i32
      %dma_wait3A_333 = tpu.memref_slice %arg3[%dma_wait3A_332] : memref<320000xi32, #tpu.memory_space<hbm>> -> memref<80xi32, #tpu.memory_space<hbm>>
      tpu.wait_dma2 semaphore(%dma_wait3A_328 : memref<!tpu.dma_semaphore, #tpu.memory_space<semaphore_mem>>) src(%dma_wait3A_333 : memref<80xi32, #tpu.memory_space<hbm>>) dst(%dma_wait3A_331 : memref<80xi32, #tpu.memory_space<vmem>>)
      %dma_start3A_334 = arith.constant 3 : i32
      %dma_start3A_335 = arith.constant 3 : i32
      %dma_start3A_336 = arith.constant 3 : i32
      %dma_start3A_337 = arith.constant 0 : i32
      %dma_start3A_338 = arith.constant 0 : i32
      %dma_start3A_339 = tpu.memref_slice %arg6[%dma_start3A_335, %dma_start3A_337, %dma_start3A_338] : memref<4x80x128xf32, #tpu.memory_space<vmem>> -> memref<1x80x128xf32, #tpu.memory_space<vmem>>
      %dma_start3A_340 = tpu.memref_squeeze %dma_start3A_339 : memref<1x80x128xf32, #tpu.memory_space<vmem>> -> memref<80x128xf32, #tpu.memory_space<vmem>>
      %dma_start3A_341 = arith.constant 0 : i32
      %dma_start3A_342 = tpu.memref_slice %arg5[%dma_start3A_334, %dma_start3A_341] : memref<4x80xi32, #tpu.memory_space<vmem>> -> memref<1x80xi32, #tpu.memory_space<vmem>>
      %dma_start3A_343 = tpu.memref_squeeze %dma_start3A_342 : memref<1x80xi32, #tpu.memory_space<vmem>> -> memref<80xi32, #tpu.memory_space<vmem>>
      %dma_start3A_344 = arith.constant 0 : i32
      %dma_start3A_345 = arith.constant 0 : i32
      %dma_start3A_346 = tpu.memref_slice %arg2[%dma_start3A_344, %dma_start3A_345] : memref<10000x128xf32, #tpu.memory_space<hbm>> -> memref<10000x128xf32, #tpu.memory_space<hbm>>
      %dma_start3A_347 = tpu.memref_slice %arg9[%dma_start3A_336] : memref<4x!tpu.dma_semaphore, #tpu.memory_space<semaphore_mem>> -> memref<1x!tpu.dma_semaphore, #tpu.memory_space<semaphore_mem>>
      %dma_start3A_348 = tpu.memref_squeeze %dma_start3A_347 : memref<1x!tpu.dma_semaphore, #tpu.memory_space<semaphore_mem>> -> memref<!tpu.dma_semaphore, #tpu.memory_space<semaphore_mem>>
      tpu.enqueue_indirect_dma source(%dma_start3A_346 : memref<10000x128xf32, #tpu.memory_space<hbm>>) target(%dma_start3A_340 : memref<80x128xf32, #tpu.memory_space<vmem>>) offsets(%dma_start3A_343 : memref<80xi32, #tpu.memory_space<vmem>>) semaphore(%dma_start3A_348 : memref<!tpu.dma_semaphore, #tpu.memory_space<semaphore_mem>>)
      %dma_wait3A_349 = arith.constant 0 : i32
      %dma_wait3A_350 = arith.constant 1 : i32
      %dma_wait3A_351 = arith.constant 1 : i32
      %dma_wait3A_352 = arith.constant 0 : i32
      %dma_wait3A_353 = arith.constant 0 : i32
      %dma_wait3A_354 = tpu.memref_slice %arg6[%dma_wait3A_350, %dma_wait3A_352, %dma_wait3A_353] : memref<4x80x128xf32, #tpu.memory_space<vmem>> -> memref<1x80x128xf32, #tpu.memory_space<vmem>>
      %dma_wait3A_355 = tpu.memref_squeeze %dma_wait3A_354 : memref<1x80x128xf32, #tpu.memory_space<vmem>> -> memref<80x128xf32, #tpu.memory_space<vmem>>
      %dma_wait3A_356 = arith.constant 0 : i32
      %dma_wait3A_357 = tpu.memref_slice %arg5[%dma_wait3A_349, %dma_wait3A_356] : memref<4x80xi32, #tpu.memory_space<vmem>> -> memref<1x80xi32, #tpu.memory_space<vmem>>
      %dma_wait3A_358 = tpu.memref_squeeze %dma_wait3A_357 : memref<1x80xi32, #tpu.memory_space<vmem>> -> memref<80xi32, #tpu.memory_space<vmem>>
      %dma_wait3A_359 = arith.constant 0 : i32
      %dma_wait3A_360 = arith.constant 0 : i32
      %dma_wait3A_361 = tpu.memref_slice %arg7[%dma_wait3A_359, %dma_wait3A_360] : memref<10000x128xf32, #tpu.memory_space<vmem_shared>> -> memref<10000x128xf32, #tpu.memory_space<vmem_shared>>
      %dma_wait3A_362 = tpu.memref_slice %arg9[%dma_wait3A_351] : memref<4x!tpu.dma_semaphore, #tpu.memory_space<semaphore_mem>> -> memref<1x!tpu.dma_semaphore, #tpu.memory_space<semaphore_mem>>
      %dma_wait3A_363 = tpu.memref_squeeze %dma_wait3A_362 : memref<1x!tpu.dma_semaphore, #tpu.memory_space<semaphore_mem>> -> memref<!tpu.dma_semaphore, #tpu.memory_space<semaphore_mem>>
      tpu.wait_indirect_dma semaphore(%dma_wait3A_363 : memref<!tpu.dma_semaphore, #tpu.memory_space<semaphore_mem>>) src(%dma_wait3A_361 : memref<10000x128xf32, #tpu.memory_space<vmem_shared>>) dst(%dma_wait3A_355 : memref<80x128xf32, #tpu.memory_space<vmem>>)
      %mul3A_364 = arith.constant 80 : i32
      %mul3A_365 = arith.muli %add3A_314, %mul3A_364 : i32
      %add3A_366 = arith.addi %mul3A_2, %mul3A_365 : i32
      %dma_start3A_367 = arith.constant 1 : i32
      %dma_start3A_368 = arith.constant 1 : i32
      %dma_start3A_369 = arith.constant 0 : i32
      %dma_start3A_370 = arith.constant 0 : i32
      %dma_start3A_371 = tpu.memref_slice %arg6[%dma_start3A_367, %dma_start3A_369, %dma_start3A_370] : memref<4x80x128xf32, #tpu.memory_space<vmem>> -> memref<1x80x128xf32, #tpu.memory_space<vmem>>
      %dma_start3A_372 = tpu.memref_squeeze %dma_start3A_371 : memref<1x80x128xf32, #tpu.memory_space<vmem>> -> memref<80x128xf32, #tpu.memory_space<vmem>>
      %dma_start3A_373 = arith.constant 0 : i32
      %dma_start3A_374 = tpu.memref_slice %arg4[%add3A_366, %dma_start3A_373] : memref<320000x128xf32, #tpu.memory_space<hbm>> -> memref<80x128xf32, #tpu.memory_space<hbm>>
      %dma_start3A_375 = tpu.memref_slice %arg10[%dma_start3A_368] : memref<4x!tpu.dma_semaphore, #tpu.memory_space<semaphore_mem>> -> memref<1x!tpu.dma_semaphore, #tpu.memory_space<semaphore_mem>>
      %dma_start3A_376 = tpu.memref_squeeze %dma_start3A_375 : memref<1x!tpu.dma_semaphore, #tpu.memory_space<semaphore_mem>> -> memref<!tpu.dma_semaphore, #tpu.memory_space<semaphore_mem>>
      %dma_start3A_377 = arith.constant 0 : i32
      %dma_start3A_378 = tpu.memref_slice %arg4[%add3A_366, %dma_start3A_377] : memref<320000x128xf32, #tpu.memory_space<hbm>> -> memref<80x128xf32, #tpu.memory_space<hbm>>
      %dma_start3A_379 = arith.constant 0 : i32
      %dma_start3A_380 = arith.constant 0 : i32
      %dma_start3A_381 = tpu.memref_slice %arg6[%dma_start3A_367, %dma_start3A_379, %dma_start3A_380] : memref<4x80x128xf32, #tpu.memory_space<vmem>> -> memref<1x80x128xf32, #tpu.memory_space<vmem>>
      %dma_start3A_382 = tpu.memref_squeeze %dma_start3A_381 : memref<1x80x128xf32, #tpu.memory_space<vmem>> -> memref<80x128xf32, #tpu.memory_space<vmem>>
      tpu.enqueue_dma source(%dma_start3A_382 : memref<80x128xf32, #tpu.memory_space<vmem>>) target(%dma_start3A_378 : memref<80x128xf32, #tpu.memory_space<hbm>>) target_semaphore(%dma_start3A_376 : memref<!tpu.dma_semaphore, #tpu.memory_space<semaphore_mem>>)
      %lt3A = arith.constant 30 : i32
      %lt3A_383 = arith.cmpi slt, %scan3A_224, %lt3A : i32
      %convert_element_type3A_384 = arith.extui %lt3A_383 : i1 to i32
      %cond3A_385 = arith.constant 0 : i32
      %cond3A_386 = arith.cmpi ne, %convert_element_type3A_384, %cond3A_385 : i32
      scf.if %cond3A_386 {
        %add3A_543 = arith.constant 4 : i32
        %add3A_544 = arith.addi %add3A_314, %add3A_543 : i32
        %mul3A_545 = arith.constant 80 : i32
        %mul3A_546 = arith.muli %add3A_544, %mul3A_545 : i32
        %add3A_547 = arith.addi %mul3A_2, %mul3A_546 : i32
        %dma_start3A_548 = arith.constant 1 : i32
        %dma_start3A_549 = arith.constant 1 : i32
        %dma_start3A_550 = arith.constant 0 : i32
        %dma_start3A_551 = tpu.memref_slice %arg5[%dma_start3A_548, %dma_start3A_550] : memref<4x80xi32, #tpu.memory_space<vmem>> -> memref<1x80xi32, #tpu.memory_space<vmem>>
        %dma_start3A_552 = tpu.memref_squeeze %dma_start3A_551 : memref<1x80xi32, #tpu.memory_space<vmem>> -> memref<80xi32, #tpu.memory_space<vmem>>
        %dma_start3A_553 = tpu.memref_slice %arg3[%add3A_547] : memref<320000xi32, #tpu.memory_space<hbm>> -> memref<80xi32, #tpu.memory_space<hbm>>
        %dma_start3A_554 = tpu.memref_slice %arg8[%dma_start3A_549] : memref<4x!tpu.dma_semaphore, #tpu.memory_space<semaphore_mem>> -> memref<1x!tpu.dma_semaphore, #tpu.memory_space<semaphore_mem>>
        %dma_start3A_555 = tpu.memref_squeeze %dma_start3A_554 : memref<1x!tpu.dma_semaphore, #tpu.memory_space<semaphore_mem>> -> memref<!tpu.dma_semaphore, #tpu.memory_space<semaphore_mem>>
        %dma_start3A_556 = arith.constant 0 : i32
        %dma_start3A_557 = tpu.memref_slice %arg5[%dma_start3A_548, %dma_start3A_556] : memref<4x80xi32, #tpu.memory_space<vmem>> -> memref<1x80xi32, #tpu.memory_space<vmem>>
        %dma_start3A_558 = tpu.memref_squeeze %dma_start3A_557 : memref<1x80xi32, #tpu.memory_space<vmem>> -> memref<80xi32, #tpu.memory_space<vmem>>
        %dma_start3A_559 = tpu.memref_slice %arg3[%add3A_547] : memref<320000xi32, #tpu.memory_space<hbm>> -> memref<80xi32, #tpu.memory_space<hbm>>
        tpu.enqueue_dma source(%dma_start3A_559 : memref<80xi32, #tpu.memory_space<hbm>>) target(%dma_start3A_558 : memref<80xi32, #tpu.memory_space<vmem>>) target_semaphore(%dma_start3A_555 : memref<!tpu.dma_semaphore, #tpu.memory_space<semaphore_mem>>)
      } else {
      }
      %mul3A_387 = arith.constant 4 : i32
      %mul3A_388 = arith.muli %scan3A_224, %mul3A_387 : i32
      %add3A_389 = arith.constant 2 : i32
      %add3A_390 = arith.addi %mul3A_388, %add3A_389 : i32
      %dma_wait3A_391 = arith.constant 0 : i32
      %dma_wait3A_392 = arith.constant 0 : i32
      %dma_wait3A_393 = arith.constant 0 : i32
      %dma_wait3A_394 = arith.constant 0 : i32
      %dma_wait3A_395 = tpu.memref_slice %arg6[%dma_wait3A_391, %dma_wait3A_393, %dma_wait3A_394] : memref<4x80x128xf32, #tpu.memory_space<vmem>> -> memref<1x80x128xf32, #tpu.memory_space<vmem>>
      %dma_wait3A_396 = tpu.memref_squeeze %dma_wait3A_395 : memref<1x80x128xf32, #tpu.memory_space<vmem>> -> memref<80x128xf32, #tpu.memory_space<vmem>>
      %dma_wait3A_397 = arith.constant 0 : i32
      %dma_wait3A_398 = arith.constant 0 : i32
      %dma_wait3A_399 = tpu.memref_slice %arg4[%dma_wait3A_397, %dma_wait3A_398] : memref<320000x128xf32, #tpu.memory_space<hbm>> -> memref<80x128xf32, #tpu.memory_space<hbm>>
      %dma_wait3A_400 = tpu.memref_slice %arg10[%dma_wait3A_392] : memref<4x!tpu.dma_semaphore, #tpu.memory_space<semaphore_mem>> -> memref<1x!tpu.dma_semaphore, #tpu.memory_space<semaphore_mem>>
      %dma_wait3A_401 = tpu.memref_squeeze %dma_wait3A_400 : memref<1x!tpu.dma_semaphore, #tpu.memory_space<semaphore_mem>> -> memref<!tpu.dma_semaphore, #tpu.memory_space<semaphore_mem>>
      %dma_wait3A_402 = arith.constant 0 : i32
      %dma_wait3A_403 = arith.constant 0 : i32
      %dma_wait3A_404 = tpu.memref_slice %arg4[%dma_wait3A_402, %dma_wait3A_403] : memref<320000x128xf32, #tpu.memory_space<hbm>> -> memref<80x128xf32, #tpu.memory_space<hbm>>
      %dma_wait3A_405 = arith.constant 0 : i32
      %dma_wait3A_406 = arith.constant 0 : i32
      %dma_wait3A_407 = tpu.memref_slice %arg6[%dma_wait3A_391, %dma_wait3A_405, %dma_wait3A_406] : memref<4x80x128xf32, #tpu.memory_space<vmem>> -> memref<1x80x128xf32, #tpu.memory_space<vmem>>
      %dma_wait3A_408 = tpu.memref_squeeze %dma_wait3A_407 : memref<1x80x128xf32, #tpu.memory_space<vmem>> -> memref<80x128xf32, #tpu.memory_space<vmem>>
      tpu.wait_dma2 semaphore(%dma_wait3A_401 : memref<!tpu.dma_semaphore, #tpu.memory_space<semaphore_mem>>) src(%dma_wait3A_408 : memref<80x128xf32, #tpu.memory_space<vmem>>) dst(%dma_wait3A_404 : memref<80x128xf32, #tpu.memory_space<hbm>>)
      %dma_wait3A_409 = arith.constant 0 : i32
      %dma_wait3A_410 = arith.constant 0 : i32
      %dma_wait3A_411 = arith.constant 0 : i32
      %dma_wait3A_412 = tpu.memref_slice %arg5[%dma_wait3A_409, %dma_wait3A_411] : memref<4x80xi32, #tpu.memory_space<vmem>> -> memref<1x80xi32, #tpu.memory_space<vmem>>
      %dma_wait3A_413 = tpu.memref_squeeze %dma_wait3A_412 : memref<1x80xi32, #tpu.memory_space<vmem>> -> memref<80xi32, #tpu.memory_space<vmem>>
      %dma_wait3A_414 = arith.constant 0 : i32
      %dma_wait3A_415 = tpu.memref_slice %arg3[%dma_wait3A_414] : memref<320000xi32, #tpu.memory_space<hbm>> -> memref<80xi32, #tpu.memory_space<hbm>>
      %dma_wait3A_416 = tpu.memref_slice %arg8[%dma_wait3A_410] : memref<4x!tpu.dma_semaphore, #tpu.memory_space<semaphore_mem>> -> memref<1x!tpu.dma_semaphore, #tpu.memory_space<semaphore_mem>>
      %dma_wait3A_417 = tpu.memref_squeeze %dma_wait3A_416 : memref<1x!tpu.dma_semaphore, #tpu.memory_space<semaphore_mem>> -> memref<!tpu.dma_semaphore, #tpu.memory_space<semaphore_mem>>
      %dma_wait3A_418 = arith.constant 0 : i32
      %dma_wait3A_419 = tpu.memref_slice %arg5[%dma_wait3A_409, %dma_wait3A_418] : memref<4x80xi32, #tpu.memory_space<vmem>> -> memref<1x80xi32, #tpu.memory_space<vmem>>
      %dma_wait3A_420 = tpu.memref_squeeze %dma_wait3A_419 : memref<1x80xi32, #tpu.memory_space<vmem>> -> memref<80xi32, #tpu.memory_space<vmem>>
      %dma_wait3A_421 = arith.constant 0 : i32
      %dma_wait3A_422 = tpu.memref_slice %arg3[%dma_wait3A_421] : memref<320000xi32, #tpu.memory_space<hbm>> -> memref<80xi32, #tpu.memory_space<hbm>>
      tpu.wait_dma2 semaphore(%dma_wait3A_417 : memref<!tpu.dma_semaphore, #tpu.memory_space<semaphore_mem>>) src(%dma_wait3A_422 : memref<80xi32, #tpu.memory_space<hbm>>) dst(%dma_wait3A_420 : memref<80xi32, #tpu.memory_space<vmem>>)
      %dma_start3A_423 = arith.constant 0 : i32
      %dma_start3A_424 = arith.constant 0 : i32
      %dma_start3A_425 = arith.constant 0 : i32
      %dma_start3A_426 = arith.constant 0 : i32
      %dma_start3A_427 = arith.constant 0 : i32
      %dma_start3A_428 = tpu.memref_slice %arg6[%dma_start3A_424, %dma_start3A_426, %dma_start3A_427] : memref<4x80x128xf32, #tpu.memory_space<vmem>> -> memref<1x80x128xf32, #tpu.memory_space<vmem>>
      %dma_start3A_429 = tpu.memref_squeeze %dma_start3A_428 : memref<1x80x128xf32, #tpu.memory_space<vmem>> -> memref<80x128xf32, #tpu.memory_space<vmem>>
      %dma_start3A_430 = arith.constant 0 : i32
      %dma_start3A_431 = tpu.memref_slice %arg5[%dma_start3A_423, %dma_start3A_430] : memref<4x80xi32, #tpu.memory_space<vmem>> -> memref<1x80xi32, #tpu.memory_space<vmem>>
      %dma_start3A_432 = tpu.memref_squeeze %dma_start3A_431 : memref<1x80xi32, #tpu.memory_space<vmem>> -> memref<80xi32, #tpu.memory_space<vmem>>
      %dma_start3A_433 = arith.constant 0 : i32
      %dma_start3A_434 = arith.constant 0 : i32
      %dma_start3A_435 = tpu.memref_slice %arg2[%dma_start3A_433, %dma_start3A_434] : memref<10000x128xf32, #tpu.memory_space<hbm>> -> memref<10000x128xf32, #tpu.memory_space<hbm>>
      %dma_start3A_436 = tpu.memref_slice %arg9[%dma_start3A_425] : memref<4x!tpu.dma_semaphore, #tpu.memory_space<semaphore_mem>> -> memref<1x!tpu.dma_semaphore, #tpu.memory_space<semaphore_mem>>
      %dma_start3A_437 = tpu.memref_squeeze %dma_start3A_436 : memref<1x!tpu.dma_semaphore, #tpu.memory_space<semaphore_mem>> -> memref<!tpu.dma_semaphore, #tpu.memory_space<semaphore_mem>>
      tpu.enqueue_indirect_dma source(%dma_start3A_435 : memref<10000x128xf32, #tpu.memory_space<hbm>>) target(%dma_start3A_429 : memref<80x128xf32, #tpu.memory_space<vmem>>) offsets(%dma_start3A_432 : memref<80xi32, #tpu.memory_space<vmem>>) semaphore(%dma_start3A_437 : memref<!tpu.dma_semaphore, #tpu.memory_space<semaphore_mem>>)
      %dma_wait3A_438 = arith.constant 0 : i32
      %dma_wait3A_439 = arith.constant 2 : i32
      %dma_wait3A_440 = arith.constant 2 : i32
      %dma_wait3A_441 = arith.constant 0 : i32
      %dma_wait3A_442 = arith.constant 0 : i32
      %dma_wait3A_443 = tpu.memref_slice %arg6[%dma_wait3A_439, %dma_wait3A_441, %dma_wait3A_442] : memref<4x80x128xf32, #tpu.memory_space<vmem>> -> memref<1x80x128xf32, #tpu.memory_space<vmem>>
      %dma_wait3A_444 = tpu.memref_squeeze %dma_wait3A_443 : memref<1x80x128xf32, #tpu.memory_space<vmem>> -> memref<80x128xf32, #tpu.memory_space<vmem>>
      %dma_wait3A_445 = arith.constant 0 : i32
      %dma_wait3A_446 = tpu.memref_slice %arg5[%dma_wait3A_438, %dma_wait3A_445] : memref<4x80xi32, #tpu.memory_space<vmem>> -> memref<1x80xi32, #tpu.memory_space<vmem>>
      %dma_wait3A_447 = tpu.memref_squeeze %dma_wait3A_446 : memref<1x80xi32, #tpu.memory_space<vmem>> -> memref<80xi32, #tpu.memory_space<vmem>>
      %dma_wait3A_448 = arith.constant 0 : i32
      %dma_wait3A_449 = arith.constant 0 : i32
      %dma_wait3A_450 = tpu.memref_slice %arg7[%dma_wait3A_448, %dma_wait3A_449] : memref<10000x128xf32, #tpu.memory_space<vmem_shared>> -> memref<10000x128xf32, #tpu.memory_space<vmem_shared>>
      %dma_wait3A_451 = tpu.memref_slice %arg9[%dma_wait3A_440] : memref<4x!tpu.dma_semaphore, #tpu.memory_space<semaphore_mem>> -> memref<1x!tpu.dma_semaphore, #tpu.memory_space<semaphore_mem>>
      %dma_wait3A_452 = tpu.memref_squeeze %dma_wait3A_451 : memref<1x!tpu.dma_semaphore, #tpu.memory_space<semaphore_mem>> -> memref<!tpu.dma_semaphore, #tpu.memory_space<semaphore_mem>>
      tpu.wait_indirect_dma semaphore(%dma_wait3A_452 : memref<!tpu.dma_semaphore, #tpu.memory_space<semaphore_mem>>) src(%dma_wait3A_450 : memref<10000x128xf32, #tpu.memory_space<vmem_shared>>) dst(%dma_wait3A_444 : memref<80x128xf32, #tpu.memory_space<vmem>>)
      %mul3A_453 = arith.constant 80 : i32
      %mul3A_454 = arith.muli %add3A_390, %mul3A_453 : i32
      %add3A_455 = arith.addi %mul3A_2, %mul3A_454 : i32
      %dma_start3A_456 = arith.constant 2 : i32
      %dma_start3A_457 = arith.constant 2 : i32
      %dma_start3A_458 = arith.constant 0 : i32
      %dma_start3A_459 = arith.constant 0 : i32
      %dma_start3A_460 = tpu.memref_slice %arg6[%dma_start3A_456, %dma_start3A_458, %dma_start3A_459] : memref<4x80x128xf32, #tpu.memory_space<vmem>> -> memref<1x80x128xf32, #tpu.memory_space<vmem>>
      %dma_start3A_461 = tpu.memref_squeeze %dma_start3A_460 : memref<1x80x128xf32, #tpu.memory_space<vmem>> -> memref<80x128xf32, #tpu.memory_space<vmem>>
      %dma_start3A_462 = arith.constant 0 : i32
      %dma_start3A_463 = tpu.memref_slice %arg4[%add3A_455, %dma_start3A_462] : memref<320000x128xf32, #tpu.memory_space<hbm>> -> memref<80x128xf32, #tpu.memory_space<hbm>>
      %dma_start3A_464 = tpu.memref_slice %arg10[%dma_start3A_457] : memref<4x!tpu.dma_semaphore, #tpu.memory_space<semaphore_mem>> -> memref<1x!tpu.dma_semaphore, #tpu.memory_space<semaphore_mem>>
      %dma_start3A_465 = tpu.memref_squeeze %dma_start3A_464 : memref<1x!tpu.dma_semaphore, #tpu.memory_space<semaphore_mem>> -> memref<!tpu.dma_semaphore, #tpu.memory_space<semaphore_mem>>
      %dma_start3A_466 = arith.constant 0 : i32
      %dma_start3A_467 = tpu.memref_slice %arg4[%add3A_455, %dma_start3A_466] : memref<320000x128xf32, #tpu.memory_space<hbm>> -> memref<80x128xf32, #tpu.memory_space<hbm>>
      %dma_start3A_468 = arith.constant 0 : i32
      %dma_start3A_469 = arith.constant 0 : i32
      %dma_start3A_470 = tpu.memref_slice %arg6[%dma_start3A_456, %dma_start3A_468, %dma_start3A_469] : memref<4x80x128xf32, #tpu.memory_space<vmem>> -> memref<1x80x128xf32, #tpu.memory_space<vmem>>
      %dma_start3A_471 = tpu.memref_squeeze %dma_start3A_470 : memref<1x80x128xf32, #tpu.memory_space<vmem>> -> memref<80x128xf32, #tpu.memory_space<vmem>>
      tpu.enqueue_dma source(%dma_start3A_471 : memref<80x128xf32, #tpu.memory_space<vmem>>) target(%dma_start3A_467 : memref<80x128xf32, #tpu.memory_space<hbm>>) target_semaphore(%dma_start3A_465 : memref<!tpu.dma_semaphore, #tpu.memory_space<semaphore_mem>>)
      %lt3A_472 = arith.constant 30 : i32
      %lt3A_473 = arith.cmpi slt, %scan3A_224, %lt3A_472 : i32
      %convert_element_type3A_474 = arith.extui %lt3A_473 : i1 to i32
      %cond3A_475 = arith.constant 0 : i32
      %cond3A_476 = arith.cmpi ne, %convert_element_type3A_474, %cond3A_475 : i32
      scf.if %cond3A_476 {
        %add3A_543 = arith.constant 4 : i32
        %add3A_544 = arith.addi %add3A_390, %add3A_543 : i32
        %mul3A_545 = arith.constant 80 : i32
        %mul3A_546 = arith.muli %add3A_544, %mul3A_545 : i32
        %add3A_547 = arith.addi %mul3A_2, %mul3A_546 : i32
        %dma_start3A_548 = arith.constant 2 : i32
        %dma_start3A_549 = arith.constant 2 : i32
        %dma_start3A_550 = arith.constant 0 : i32
        %dma_start3A_551 = tpu.memref_slice %arg5[%dma_start3A_548, %dma_start3A_550] : memref<4x80xi32, #tpu.memory_space<vmem>> -> memref<1x80xi32, #tpu.memory_space<vmem>>
        %dma_start3A_552 = tpu.memref_squeeze %dma_start3A_551 : memref<1x80xi32, #tpu.memory_space<vmem>> -> memref<80xi32, #tpu.memory_space<vmem>>
        %dma_start3A_553 = tpu.memref_slice %arg3[%add3A_547] : memref<320000xi32, #tpu.memory_space<hbm>> -> memref<80xi32, #tpu.memory_space<hbm>>
        %dma_start3A_554 = tpu.memref_slice %arg8[%dma_start3A_549] : memref<4x!tpu.dma_semaphore, #tpu.memory_space<semaphore_mem>> -> memref<1x!tpu.dma_semaphore, #tpu.memory_space<semaphore_mem>>
        %dma_start3A_555 = tpu.memref_squeeze %dma_start3A_554 : memref<1x!tpu.dma_semaphore, #tpu.memory_space<semaphore_mem>> -> memref<!tpu.dma_semaphore, #tpu.memory_space<semaphore_mem>>
        %dma_start3A_556 = arith.constant 0 : i32
        %dma_start3A_557 = tpu.memref_slice %arg5[%dma_start3A_548, %dma_start3A_556] : memref<4x80xi32, #tpu.memory_space<vmem>> -> memref<1x80xi32, #tpu.memory_space<vmem>>
        %dma_start3A_558 = tpu.memref_squeeze %dma_start3A_557 : memref<1x80xi32, #tpu.memory_space<vmem>> -> memref<80xi32, #tpu.memory_space<vmem>>
        %dma_start3A_559 = tpu.memref_slice %arg3[%add3A_547] : memref<320000xi32, #tpu.memory_space<hbm>> -> memref<80xi32, #tpu.memory_space<hbm>>
        tpu.enqueue_dma source(%dma_start3A_559 : memref<80xi32, #tpu.memory_space<hbm>>) target(%dma_start3A_558 : memref<80xi32, #tpu.memory_space<vmem>>) target_semaphore(%dma_start3A_555 : memref<!tpu.dma_semaphore, #tpu.memory_space<semaphore_mem>>)
      } else {
      }
      %mul3A_477 = arith.constant 4 : i32
      %mul3A_478 = arith.muli %scan3A_224, %mul3A_477 : i32
      %add3A_479 = arith.constant 3 : i32
      %add3A_480 = arith.addi %mul3A_478, %add3A_479 : i32
      %dma_wait3A_481 = arith.constant 1 : i32
      %dma_wait3A_482 = arith.constant 1 : i32
      %dma_wait3A_483 = arith.constant 0 : i32
      %dma_wait3A_484 = arith.constant 0 : i32
      %dma_wait3A_485 = tpu.memref_slice %arg6[%dma_wait3A_481, %dma_wait3A_483, %dma_wait3A_484] : memref<4x80x128xf32, #tpu.memory_space<vmem>> -> memref<1x80x128xf32, #tpu.memory_space<vmem>>
      %dma_wait3A_486 = tpu.memref_squeeze %dma_wait3A_485 : memref<1x80x128xf32, #tpu.memory_space<vmem>> -> memref<80x128xf32, #tpu.memory_space<vmem>>
      %dma_wait3A_487 = arith.constant 0 : i32
      %dma_wait3A_488 = arith.constant 0 : i32
      %dma_wait3A_489 = tpu.memref_slice %arg4[%dma_wait3A_487, %dma_wait3A_488] : memref<320000x128xf32, #tpu.memory_space<hbm>> -> memref<80x128xf32, #tpu.memory_space<hbm>>
      %dma_wait3A_490 = tpu.memref_slice %arg10[%dma_wait3A_482] : memref<4x!tpu.dma_semaphore, #tpu.memory_space<semaphore_mem>> -> memref<1x!tpu.dma_semaphore, #tpu.memory_space<semaphore_mem>>
      %dma_wait3A_491 = tpu.memref_squeeze %dma_wait3A_490 : memref<1x!tpu.dma_semaphore, #tpu.memory_space<semaphore_mem>> -> memref<!tpu.dma_semaphore, #tpu.memory_space<semaphore_mem>>
      %dma_wait3A_492 = arith.constant 0 : i32
      %dma_wait3A_493 = arith.constant 0 : i32
      %dma_wait3A_494 = tpu.memref_slice %arg4[%dma_wait3A_492, %dma_wait3A_493] : memref<320000x128xf32, #tpu.memory_space<hbm>> -> memref<80x128xf32, #tpu.memory_space<hbm>>
      %dma_wait3A_495 = arith.constant 0 : i32
      %dma_wait3A_496 = arith.constant 0 : i32
      %dma_wait3A_497 = tpu.memref_slice %arg6[%dma_wait3A_481, %dma_wait3A_495, %dma_wait3A_496] : memref<4x80x128xf32, #tpu.memory_space<vmem>> -> memref<1x80x128xf32, #tpu.memory_space<vmem>>
      %dma_wait3A_498 = tpu.memref_squeeze %dma_wait3A_497 : memref<1x80x128xf32, #tpu.memory_space<vmem>> -> memref<80x128xf32, #tpu.memory_space<vmem>>
      tpu.wait_dma2 semaphore(%dma_wait3A_491 : memref<!tpu.dma_semaphore, #tpu.memory_space<semaphore_mem>>) src(%dma_wait3A_498 : memref<80x128xf32, #tpu.memory_space<vmem>>) dst(%dma_wait3A_494 : memref<80x128xf32, #tpu.memory_space<hbm>>)
      %lt3A_499 = arith.constant 30 : i32
      %lt3A_500 = arith.cmpi slt, %scan3A_224, %lt3A_499 : i32
      %convert_element_type3A_501 = arith.extui %lt3A_500 : i1 to i32
      %cond3A_502 = arith.constant 0 : i32
      %cond3A_503 = arith.cmpi ne, %convert_element_type3A_501, %cond3A_502 : i32
      scf.if %cond3A_503 {
        %dma_wait3A_543 = arith.constant 1 : i32
        %dma_wait3A_544 = arith.constant 1 : i32
        %dma_wait3A_545 = arith.constant 0 : i32
        %dma_wait3A_546 = tpu.memref_slice %arg5[%dma_wait3A_543, %dma_wait3A_545] : memref<4x80xi32, #tpu.memory_space<vmem>> -> memref<1x80xi32, #tpu.memory_space<vmem>>
        %dma_wait3A_547 = tpu.memref_squeeze %dma_wait3A_546 : memref<1x80xi32, #tpu.memory_space<vmem>> -> memref<80xi32, #tpu.memory_space<vmem>>
        %dma_wait3A_548 = arith.constant 0 : i32
        %dma_wait3A_549 = tpu.memref_slice %arg3[%dma_wait3A_548] : memref<320000xi32, #tpu.memory_space<hbm>> -> memref<80xi32, #tpu.memory_space<hbm>>
        %dma_wait3A_550 = tpu.memref_slice %arg8[%dma_wait3A_544] : memref<4x!tpu.dma_semaphore, #tpu.memory_space<semaphore_mem>> -> memref<1x!tpu.dma_semaphore, #tpu.memory_space<semaphore_mem>>
        %dma_wait3A_551 = tpu.memref_squeeze %dma_wait3A_550 : memref<1x!tpu.dma_semaphore, #tpu.memory_space<semaphore_mem>> -> memref<!tpu.dma_semaphore, #tpu.memory_space<semaphore_mem>>
        %dma_wait3A_552 = arith.constant 0 : i32
        %dma_wait3A_553 = tpu.memref_slice %arg5[%dma_wait3A_543, %dma_wait3A_552] : memref<4x80xi32, #tpu.memory_space<vmem>> -> memref<1x80xi32, #tpu.memory_space<vmem>>
        %dma_wait3A_554 = tpu.memref_squeeze %dma_wait3A_553 : memref<1x80xi32, #tpu.memory_space<vmem>> -> memref<80xi32, #tpu.memory_space<vmem>>
        %dma_wait3A_555 = arith.constant 0 : i32
        %dma_wait3A_556 = tpu.memref_slice %arg3[%dma_wait3A_555] : memref<320000xi32, #tpu.memory_space<hbm>> -> memref<80xi32, #tpu.memory_space<hbm>>
        tpu.wait_dma2 semaphore(%dma_wait3A_551 : memref<!tpu.dma_semaphore, #tpu.memory_space<semaphore_mem>>) src(%dma_wait3A_556 : memref<80xi32, #tpu.memory_space<hbm>>) dst(%dma_wait3A_554 : memref<80xi32, #tpu.memory_space<vmem>>)
        %dma_start3A_557 = arith.constant 1 : i32
        %dma_start3A_558 = arith.constant 1 : i32
        %dma_start3A_559 = arith.constant 1 : i32
        %dma_start3A_560 = arith.constant 0 : i32
        %dma_start3A_561 = arith.constant 0 : i32
        %dma_start3A_562 = tpu.memref_slice %arg6[%dma_start3A_558, %dma_start3A_560, %dma_start3A_561] : memref<4x80x128xf32, #tpu.memory_space<vmem>> -> memref<1x80x128xf32, #tpu.memory_space<vmem>>
        %dma_start3A_563 = tpu.memref_squeeze %dma_start3A_562 : memref<1x80x128xf32, #tpu.memory_space<vmem>> -> memref<80x128xf32, #tpu.memory_space<vmem>>
        %dma_start3A_564 = arith.constant 0 : i32
        %dma_start3A_565 = tpu.memref_slice %arg5[%dma_start3A_557, %dma_start3A_564] : memref<4x80xi32, #tpu.memory_space<vmem>> -> memref<1x80xi32, #tpu.memory_space<vmem>>
        %dma_start3A_566 = tpu.memref_squeeze %dma_start3A_565 : memref<1x80xi32, #tpu.memory_space<vmem>> -> memref<80xi32, #tpu.memory_space<vmem>>
        %dma_start3A_567 = arith.constant 0 : i32
        %dma_start3A_568 = arith.constant 0 : i32
        %dma_start3A_569 = tpu.memref_slice %arg2[%dma_start3A_567, %dma_start3A_568] : memref<10000x128xf32, #tpu.memory_space<hbm>> -> memref<10000x128xf32, #tpu.memory_space<hbm>>
        %dma_start3A_570 = tpu.memref_slice %arg9[%dma_start3A_559] : memref<4x!tpu.dma_semaphore, #tpu.memory_space<semaphore_mem>> -> memref<1x!tpu.dma_semaphore, #tpu.memory_space<semaphore_mem>>
        %dma_start3A_571 = tpu.memref_squeeze %dma_start3A_570 : memref<1x!tpu.dma_semaphore, #tpu.memory_space<semaphore_mem>> -> memref<!tpu.dma_semaphore, #tpu.memory_space<semaphore_mem>>
        tpu.enqueue_indirect_dma source(%dma_start3A_569 : memref<10000x128xf32, #tpu.memory_space<hbm>>) target(%dma_start3A_563 : memref<80x128xf32, #tpu.memory_space<vmem>>) offsets(%dma_start3A_566 : memref<80xi32, #tpu.memory_space<vmem>>) semaphore(%dma_start3A_571 : memref<!tpu.dma_semaphore, #tpu.memory_space<semaphore_mem>>)
      } else {
      }
      %dma_wait3A_504 = arith.constant 0 : i32
      %dma_wait3A_505 = arith.constant 3 : i32
      %dma_wait3A_506 = arith.constant 3 : i32
      %dma_wait3A_507 = arith.constant 0 : i32
      %dma_wait3A_508 = arith.constant 0 : i32
      %dma_wait3A_509 = tpu.memref_slice %arg6[%dma_wait3A_505, %dma_wait3A_507, %dma_wait3A_508] : memref<4x80x128xf32, #tpu.memory_space<vmem>> -> memref<1x80x128xf32, #tpu.memory_space<vmem>>
      %dma_wait3A_510 = tpu.memref_squeeze %dma_wait3A_509 : memref<1x80x128xf32, #tpu.memory_space<vmem>> -> memref<80x128xf32, #tpu.memory_space<vmem>>
      %dma_wait3A_511 = arith.constant 0 : i32
      %dma_wait3A_512 = tpu.memref_slice %arg5[%dma_wait3A_504, %dma_wait3A_511] : memref<4x80xi32, #tpu.memory_space<vmem>> -> memref<1x80xi32, #tpu.memory_space<vmem>>
      %dma_wait3A_513 = tpu.memref_squeeze %dma_wait3A_512 : memref<1x80xi32, #tpu.memory_space<vmem>> -> memref<80xi32, #tpu.memory_space<vmem>>
      %dma_wait3A_514 = arith.constant 0 : i32
      %dma_wait3A_515 = arith.constant 0 : i32
      %dma_wait3A_516 = tpu.memref_slice %arg7[%dma_wait3A_514, %dma_wait3A_515] : memref<10000x128xf32, #tpu.memory_space<vmem_shared>> -> memref<10000x128xf32, #tpu.memory_space<vmem_shared>>
      %dma_wait3A_517 = tpu.memref_slice %arg9[%dma_wait3A_506] : memref<4x!tpu.dma_semaphore, #tpu.memory_space<semaphore_mem>> -> memref<1x!tpu.dma_semaphore, #tpu.memory_space<semaphore_mem>>
      %dma_wait3A_518 = tpu.memref_squeeze %dma_wait3A_517 : memref<1x!tpu.dma_semaphore, #tpu.memory_space<semaphore_mem>> -> memref<!tpu.dma_semaphore, #tpu.memory_space<semaphore_mem>>
      tpu.wait_indirect_dma semaphore(%dma_wait3A_518 : memref<!tpu.dma_semaphore, #tpu.memory_space<semaphore_mem>>) src(%dma_wait3A_516 : memref<10000x128xf32, #tpu.memory_space<vmem_shared>>) dst(%dma_wait3A_510 : memref<80x128xf32, #tpu.memory_space<vmem>>)
      %mul3A_519 = arith.constant 80 : i32
      %mul3A_520 = arith.muli %add3A_480, %mul3A_519 : i32
      %add3A_521 = arith.addi %mul3A_2, %mul3A_520 : i32
      %dma_start3A_522 = arith.constant 3 : i32
      %dma_start3A_523 = arith.constant 3 : i32
      %dma_start3A_524 = arith.constant 0 : i32
      %dma_start3A_525 = arith.constant 0 : i32
      %dma_start3A_526 = tpu.memref_slice %arg6[%dma_start3A_522, %dma_start3A_524, %dma_start3A_525] : memref<4x80x128xf32, #tpu.memory_space<vmem>> -> memref<1x80x128xf32, #tpu.memory_space<vmem>>
      %dma_start3A_527 = tpu.memref_squeeze %dma_start3A_526 : memref<1x80x128xf32, #tpu.memory_space<vmem>> -> memref<80x128xf32, #tpu.memory_space<vmem>>
      %dma_start3A_528 = arith.constant 0 : i32
      %dma_start3A_529 = tpu.memref_slice %arg4[%add3A_521, %dma_start3A_528] : memref<320000x128xf32, #tpu.memory_space<hbm>> -> memref<80x128xf32, #tpu.memory_space<hbm>>
      %dma_start3A_530 = tpu.memref_slice %arg10[%dma_start3A_523] : memref<4x!tpu.dma_semaphore, #tpu.memory_space<semaphore_mem>> -> memref<1x!tpu.dma_semaphore, #tpu.memory_space<semaphore_mem>>
      %dma_start3A_531 = tpu.memref_squeeze %dma_start3A_530 : memref<1x!tpu.dma_semaphore, #tpu.memory_space<semaphore_mem>> -> memref<!tpu.dma_semaphore, #tpu.memory_space<semaphore_mem>>
      %dma_start3A_532 = arith.constant 0 : i32
      %dma_start3A_533 = tpu.memref_slice %arg4[%add3A_521, %dma_start3A_532] : memref<320000x128xf32, #tpu.memory_space<hbm>> -> memref<80x128xf32, #tpu.memory_space<hbm>>
      %dma_start3A_534 = arith.constant 0 : i32
      %dma_start3A_535 = arith.constant 0 : i32
      %dma_start3A_536 = tpu.memref_slice %arg6[%dma_start3A_522, %dma_start3A_534, %dma_start3A_535] : memref<4x80x128xf32, #tpu.memory_space<vmem>> -> memref<1x80x128xf32, #tpu.memory_space<vmem>>
      %dma_start3A_537 = tpu.memref_squeeze %dma_start3A_536 : memref<1x80x128xf32, #tpu.memory_space<vmem>> -> memref<80x128xf32, #tpu.memory_space<vmem>>
      tpu.enqueue_dma source(%dma_start3A_537 : memref<80x128xf32, #tpu.memory_space<vmem>>) target(%dma_start3A_533 : memref<80x128xf32, #tpu.memory_space<hbm>>) target_semaphore(%dma_start3A_531 : memref<!tpu.dma_semaphore, #tpu.memory_space<semaphore_mem>>)
      %lt3A_538 = arith.constant 30 : i32
      %lt3A_539 = arith.cmpi slt, %scan3A_224, %lt3A_538 : i32
      %convert_element_type3A_540 = arith.extui %lt3A_539 : i1 to i32
      %cond3A_541 = arith.constant 0 : i32
      %cond3A_542 = arith.cmpi ne, %convert_element_type3A_540, %cond3A_541 : i32
      scf.if %cond3A_542 {
        %add3A_543 = arith.constant 4 : i32
        %add3A_544 = arith.addi %add3A_480, %add3A_543 : i32
        %mul3A_545 = arith.constant 80 : i32
        %mul3A_546 = arith.muli %add3A_544, %mul3A_545 : i32
        %add3A_547 = arith.addi %mul3A_2, %mul3A_546 : i32
        %dma_start3A_548 = arith.constant 3 : i32
        %dma_start3A_549 = arith.constant 3 : i32
        %dma_start3A_550 = arith.constant 0 : i32
        %dma_start3A_551 = tpu.memref_slice %arg5[%dma_start3A_548, %dma_start3A_550] : memref<4x80xi32, #tpu.memory_space<vmem>> -> memref<1x80xi32, #tpu.memory_space<vmem>>
        %dma_start3A_552 = tpu.memref_squeeze %dma_start3A_551 : memref<1x80xi32, #tpu.memory_space<vmem>> -> memref<80xi32, #tpu.memory_space<vmem>>
        %dma_start3A_553 = tpu.memref_slice %arg3[%add3A_547] : memref<320000xi32, #tpu.memory_space<hbm>> -> memref<80xi32, #tpu.memory_space<hbm>>
        %dma_start3A_554 = tpu.memref_slice %arg8[%dma_start3A_549] : memref<4x!tpu.dma_semaphore, #tpu.memory_space<semaphore_mem>> -> memref<1x!tpu.dma_semaphore, #tpu.memory_space<semaphore_mem>>
        %dma_start3A_555 = tpu.memref_squeeze %dma_start3A_554 : memref<1x!tpu.dma_semaphore, #tpu.memory_space<semaphore_mem>> -> memref<!tpu.dma_semaphore, #tpu.memory_space<semaphore_mem>>
        %dma_start3A_556 = arith.constant 0 : i32
        %dma_start3A_557 = tpu.memref_slice %arg5[%dma_start3A_548, %dma_start3A_556] : memref<4x80xi32, #tpu.memory_space<vmem>> -> memref<1x80xi32, #tpu.memory_space<vmem>>
        %dma_start3A_558 = tpu.memref_squeeze %dma_start3A_557 : memref<1x80xi32, #tpu.memory_space<vmem>> -> memref<80xi32, #tpu.memory_space<vmem>>
        %dma_start3A_559 = tpu.memref_slice %arg3[%add3A_547] : memref<320000xi32, #tpu.memory_space<hbm>> -> memref<80xi32, #tpu.memory_space<hbm>>
        tpu.enqueue_dma source(%dma_start3A_559 : memref<80xi32, #tpu.memory_space<hbm>>) target(%dma_start3A_558 : memref<80xi32, #tpu.memory_space<vmem>>) target_semaphore(%dma_start3A_555 : memref<!tpu.dma_semaphore, #tpu.memory_space<semaphore_mem>>)
      } else {
      }
    }
    %scan3A_126 = arith.constant 2 : i32
    %dma_wait3A_127 = arith.constant 0 : i32
    %dma_wait3A_128 = tpu.memref_slice %arg7[%multiple_of3A, %dma_wait3A_127] : memref<10000x128xf32, #tpu.memory_space<vmem_shared>> -> memref<640x128xf32, #tpu.memory_space<vmem_shared>>
    %dma_wait3A_129 = arith.constant 0 : i32
    %dma_wait3A_130 = tpu.memref_slice %arg2[%multiple_of3A, %dma_wait3A_129] : memref<10000x128xf32, #tpu.memory_space<hbm>> -> memref<640x128xf32, #tpu.memory_space<hbm>>
    tpu.wait_dma2 semaphore(%arg11 : memref<!tpu.dma_semaphore, #tpu.memory_space<semaphore_mem>>) src(%dma_wait3A_130 : memref<640x128xf32, #tpu.memory_space<hbm>>) dst(%dma_wait3A_128 : memref<640x128xf32, #tpu.memory_space<vmem_shared>>)
    %barrier3A = arith.constant 0 : index
    tpu.barrier barrier_id(%barrier3A)
    %scan3A_131 = arith.constant 0 : i32
    %scan3A_132 = arith.constant 2 : i32
    %scan3A_133 = arith.constant 29 : i32
    %scan3A_134 = arith.addi %scan3A_132, %scan3A_133 : i32
    %scan3A_135 = arith.constant 1 : i32
    scf.for %scan3A_224 = %scan3A_132 to %scan3A_134 step %scan3A_135  : i32 {
      %mul3A_225 = arith.constant 4 : i32
      %mul3A_226 = arith.muli %scan3A_224, %mul3A_225 : i32
      %add3A_227 = arith.constant 0 : i32
      %add3A_228 = arith.addi %mul3A_226, %add3A_227 : i32
      %gt3A = arith.constant 0 : i32
      %gt3A_229 = arith.cmpi sgt, %scan3A_224, %gt3A : i32
      %convert_element_type3A = arith.extui %gt3A_229 : i1 to i32
      %cond3A = arith.constant 0 : i32
      %cond3A_230 = arith.cmpi ne, %convert_element_type3A, %cond3A : i32
      scf.if %cond3A_230 {
        %dma_wait3A_543 = arith.constant 2 : i32
        %dma_wait3A_544 = arith.constant 2 : i32
        %dma_wait3A_545 = arith.constant 0 : i32
        %dma_wait3A_546 = arith.constant 0 : i32
        %dma_wait3A_547 = tpu.memref_slice %arg6[%dma_wait3A_543, %dma_wait3A_545, %dma_wait3A_546] : memref<4x80x128xf32, #tpu.memory_space<vmem>> -> memref<1x80x128xf32, #tpu.memory_space<vmem>>
        %dma_wait3A_548 = tpu.memref_squeeze %dma_wait3A_547 : memref<1x80x128xf32, #tpu.memory_space<vmem>> -> memref<80x128xf32, #tpu.memory_space<vmem>>
        %dma_wait3A_549 = arith.constant 0 : i32
        %dma_wait3A_550 = arith.constant 0 : i32
        %dma_wait3A_551 = tpu.memref_slice %arg4[%dma_wait3A_549, %dma_wait3A_550] : memref<320000x128xf32, #tpu.memory_space<hbm>> -> memref<80x128xf32, #tpu.memory_space<hbm>>
        %dma_wait3A_552 = tpu.memref_slice %arg10[%dma_wait3A_544] : memref<4x!tpu.dma_semaphore, #tpu.memory_space<semaphore_mem>> -> memref<1x!tpu.dma_semaphore, #tpu.memory_space<semaphore_mem>>
        %dma_wait3A_553 = tpu.memref_squeeze %dma_wait3A_552 : memref<1x!tpu.dma_semaphore, #tpu.memory_space<semaphore_mem>> -> memref<!tpu.dma_semaphore, #tpu.memory_space<semaphore_mem>>
        %dma_wait3A_554 = arith.constant 0 : i32
        %dma_wait3A_555 = arith.constant 0 : i32
        %dma_wait3A_556 = tpu.memref_slice %arg4[%dma_wait3A_554, %dma_wait3A_555] : memref<320000x128xf32, #tpu.memory_space<hbm>> -> memref<80x128xf32, #tpu.memory_space<hbm>>
        %dma_wait3A_557 = arith.constant 0 : i32
        %dma_wait3A_558 = arith.constant 0 : i32
        %dma_wait3A_559 = tpu.memref_slice %arg6[%dma_wait3A_543, %dma_wait3A_557, %dma_wait3A_558] : memref<4x80x128xf32, #tpu.memory_space<vmem>> -> memref<1x80x128xf32, #tpu.memory_space<vmem>>
        %dma_wait3A_560 = tpu.memref_squeeze %dma_wait3A_559 : memref<1x80x128xf32, #tpu.memory_space<vmem>> -> memref<80x128xf32, #tpu.memory_space<vmem>>
        tpu.wait_dma2 semaphore(%dma_wait3A_553 : memref<!tpu.dma_semaphore, #tpu.memory_space<semaphore_mem>>) src(%dma_wait3A_560 : memref<80x128xf32, #tpu.memory_space<vmem>>) dst(%dma_wait3A_556 : memref<80x128xf32, #tpu.memory_space<hbm>>)
      } else {
      }
      %dma_wait3A_231 = arith.constant 2 : i32
      %dma_wait3A_232 = arith.constant 2 : i32
      %dma_wait3A_233 = arith.constant 0 : i32
      %dma_wait3A_234 = tpu.memref_slice %arg5[%dma_wait3A_231, %dma_wait3A_233] : memref<4x80xi32, #tpu.memory_space<vmem>> -> memref<1x80xi32, #tpu.memory_space<vmem>>
      %dma_wait3A_235 = tpu.memref_squeeze %dma_wait3A_234 : memref<1x80xi32, #tpu.memory_space<vmem>> -> memref<80xi32, #tpu.memory_space<vmem>>
      %dma_wait3A_236 = arith.constant 0 : i32
      %dma_wait3A_237 = tpu.memref_slice %arg3[%dma_wait3A_236] : memref<320000xi32, #tpu.memory_space<hbm>> -> memref<80xi32, #tpu.memory_space<hbm>>
      %dma_wait3A_238 = tpu.memref_slice %arg8[%dma_wait3A_232] : memref<4x!tpu.dma_semaphore, #tpu.memory_space<semaphore_mem>> -> memref<1x!tpu.dma_semaphore, #tpu.memory_space<semaphore_mem>>
      %dma_wait3A_239 = tpu.memref_squeeze %dma_wait3A_238 : memref<1x!tpu.dma_semaphore, #tpu.memory_space<semaphore_mem>> -> memref<!tpu.dma_semaphore, #tpu.memory_space<semaphore_mem>>
      %dma_wait3A_240 = arith.constant 0 : i32
      %dma_wait3A_241 = tpu.memref_slice %arg5[%dma_wait3A_231, %dma_wait3A_240] : memref<4x80xi32, #tpu.memory_space<vmem>> -> memref<1x80xi32, #tpu.memory_space<vmem>>
      %dma_wait3A_242 = tpu.memref_squeeze %dma_wait3A_241 : memref<1x80xi32, #tpu.memory_space<vmem>> -> memref<80xi32, #tpu.memory_space<vmem>>
      %dma_wait3A_243 = arith.constant 0 : i32
      %dma_wait3A_244 = tpu.memref_slice %arg3[%dma_wait3A_243] : memref<320000xi32, #tpu.memory_space<hbm>> -> memref<80xi32, #tpu.memory_space<hbm>>
      tpu.wait_dma2 semaphore(%dma_wait3A_239 : memref<!tpu.dma_semaphore, #tpu.memory_space<semaphore_mem>>) src(%dma_wait3A_244 : memref<80xi32, #tpu.memory_space<hbm>>) dst(%dma_wait3A_242 : memref<80xi32, #tpu.memory_space<vmem>>)
      %dma_start3A_245 = arith.constant 2 : i32
      %dma_start3A_246 = arith.constant 2 : i32
      %dma_start3A_247 = arith.constant 2 : i32
      %dma_start3A_248 = arith.constant 0 : i32
      %dma_start3A_249 = arith.constant 0 : i32
      %dma_start3A_250 = tpu.memref_slice %arg6[%dma_start3A_246, %dma_start3A_248, %dma_start3A_249] : memref<4x80x128xf32, #tpu.memory_space<vmem>> -> memref<1x80x128xf32, #tpu.memory_space<vmem>>
      %dma_start3A_251 = tpu.memref_squeeze %dma_start3A_250 : memref<1x80x128xf32, #tpu.memory_space<vmem>> -> memref<80x128xf32, #tpu.memory_space<vmem>>
      %dma_start3A_252 = arith.constant 0 : i32
      %dma_start3A_253 = tpu.memref_slice %arg5[%dma_start3A_245, %dma_start3A_252] : memref<4x80xi32, #tpu.memory_space<vmem>> -> memref<1x80xi32, #tpu.memory_space<vmem>>
      %dma_start3A_254 = tpu.memref_squeeze %dma_start3A_253 : memref<1x80xi32, #tpu.memory_space<vmem>> -> memref<80xi32, #tpu.memory_space<vmem>>
      %dma_start3A_255 = arith.constant 0 : i32
      %dma_start3A_256 = arith.constant 0 : i32
      %dma_start3A_257 = tpu.memref_slice %arg7[%dma_start3A_255, %dma_start3A_256] : memref<10000x128xf32, #tpu.memory_space<vmem_shared>> -> memref<10000x128xf32, #tpu.memory_space<vmem_shared>>
      %dma_start3A_258 = tpu.memref_slice %arg9[%dma_start3A_247] : memref<4x!tpu.dma_semaphore, #tpu.memory_space<semaphore_mem>> -> memref<1x!tpu.dma_semaphore, #tpu.memory_space<semaphore_mem>>
      %dma_start3A_259 = tpu.memref_squeeze %dma_start3A_258 : memref<1x!tpu.dma_semaphore, #tpu.memory_space<semaphore_mem>> -> memref<!tpu.dma_semaphore, #tpu.memory_space<semaphore_mem>>
      tpu.enqueue_indirect_dma source(%dma_start3A_257 : memref<10000x128xf32, #tpu.memory_space<vmem_shared>>) target(%dma_start3A_251 : memref<80x128xf32, #tpu.memory_space<vmem>>) offsets(%dma_start3A_254 : memref<80xi32, #tpu.memory_space<vmem>>) semaphore(%dma_start3A_259 : memref<!tpu.dma_semaphore, #tpu.memory_space<semaphore_mem>>)
      %dma_wait3A_260 = arith.constant 0 : i32
      %dma_wait3A_261 = arith.constant 0 : i32
      %dma_wait3A_262 = arith.constant 0 : i32
      %dma_wait3A_263 = arith.constant 0 : i32
      %dma_wait3A_264 = arith.constant 0 : i32
      %dma_wait3A_265 = tpu.memref_slice %arg6[%dma_wait3A_261, %dma_wait3A_263, %dma_wait3A_264] : memref<4x80x128xf32, #tpu.memory_space<vmem>> -> memref<1x80x128xf32, #tpu.memory_space<vmem>>
      %dma_wait3A_266 = tpu.memref_squeeze %dma_wait3A_265 : memref<1x80x128xf32, #tpu.memory_space<vmem>> -> memref<80x128xf32, #tpu.memory_space<vmem>>
      %dma_wait3A_267 = arith.constant 0 : i32
      %dma_wait3A_268 = tpu.memref_slice %arg5[%dma_wait3A_260, %dma_wait3A_267] : memref<4x80xi32, #tpu.memory_space<vmem>> -> memref<1x80xi32, #tpu.memory_space<vmem>>
      %dma_wait3A_269 = tpu.memref_squeeze %dma_wait3A_268 : memref<1x80xi32, #tpu.memory_space<vmem>> -> memref<80xi32, #tpu.memory_space<vmem>>
      %dma_wait3A_270 = arith.constant 0 : i32
      %dma_wait3A_271 = arith.constant 0 : i32
      %dma_wait3A_272 = tpu.memref_slice %arg7[%dma_wait3A_270, %dma_wait3A_271] : memref<10000x128xf32, #tpu.memory_space<vmem_shared>> -> memref<10000x128xf32, #tpu.memory_space<vmem_shared>>
      %dma_wait3A_273 = tpu.memref_slice %arg9[%dma_wait3A_262] : memref<4x!tpu.dma_semaphore, #tpu.memory_space<semaphore_mem>> -> memref<1x!tpu.dma_semaphore, #tpu.memory_space<semaphore_mem>>
      %dma_wait3A_274 = tpu.memref_squeeze %dma_wait3A_273 : memref<1x!tpu.dma_semaphore, #tpu.memory_space<semaphore_mem>> -> memref<!tpu.dma_semaphore, #tpu.memory_space<semaphore_mem>>
      tpu.wait_indirect_dma semaphore(%dma_wait3A_274 : memref<!tpu.dma_semaphore, #tpu.memory_space<semaphore_mem>>) src(%dma_wait3A_272 : memref<10000x128xf32, #tpu.memory_space<vmem_shared>>) dst(%dma_wait3A_266 : memref<80x128xf32, #tpu.memory_space<vmem>>)
      %mul3A_275 = arith.constant 80 : i32
      %mul3A_276 = arith.muli %add3A_228, %mul3A_275 : i32
      %add3A_277 = arith.addi %mul3A_2, %mul3A_276 : i32
      %dma_start3A_278 = arith.constant 0 : i32
      %dma_start3A_279 = arith.constant 0 : i32
      %dma_start3A_280 = arith.constant 0 : i32
      %dma_start3A_281 = arith.constant 0 : i32
      %dma_start3A_282 = tpu.memref_slice %arg6[%dma_start3A_278, %dma_start3A_280, %dma_start3A_281] : memref<4x80x128xf32, #tpu.memory_space<vmem>> -> memref<1x80x128xf32, #tpu.memory_space<vmem>>
      %dma_start3A_283 = tpu.memref_squeeze %dma_start3A_282 : memref<1x80x128xf32, #tpu.memory_space<vmem>> -> memref<80x128xf32, #tpu.memory_space<vmem>>
      %dma_start3A_284 = arith.constant 0 : i32
      %dma_start3A_285 = tpu.memref_slice %arg4[%add3A_277, %dma_start3A_284] : memref<320000x128xf32, #tpu.memory_space<hbm>> -> memref<80x128xf32, #tpu.memory_space<hbm>>
      %dma_start3A_286 = tpu.memref_slice %arg10[%dma_start3A_279] : memref<4x!tpu.dma_semaphore, #tpu.memory_space<semaphore_mem>> -> memref<1x!tpu.dma_semaphore, #tpu.memory_space<semaphore_mem>>
      %dma_start3A_287 = tpu.memref_squeeze %dma_start3A_286 : memref<1x!tpu.dma_semaphore, #tpu.memory_space<semaphore_mem>> -> memref<!tpu.dma_semaphore, #tpu.memory_space<semaphore_mem>>
      %dma_start3A_288 = arith.constant 0 : i32
      %dma_start3A_289 = tpu.memref_slice %arg4[%add3A_277, %dma_start3A_288] : memref<320000x128xf32, #tpu.memory_space<hbm>> -> memref<80x128xf32, #tpu.memory_space<hbm>>
      %dma_start3A_290 = arith.constant 0 : i32
      %dma_start3A_291 = arith.constant 0 : i32
      %dma_start3A_292 = tpu.memref_slice %arg6[%dma_start3A_278, %dma_start3A_290, %dma_start3A_291] : memref<4x80x128xf32, #tpu.memory_space<vmem>> -> memref<1x80x128xf32, #tpu.memory_space<vmem>>
      %dma_start3A_293 = tpu.memref_squeeze %dma_start3A_292 : memref<1x80x128xf32, #tpu.memory_space<vmem>> -> memref<80x128xf32, #tpu.memory_space<vmem>>
      tpu.enqueue_dma source(%dma_start3A_293 : memref<80x128xf32, #tpu.memory_space<vmem>>) target(%dma_start3A_289 : memref<80x128xf32, #tpu.memory_space<hbm>>) target_semaphore(%dma_start3A_287 : memref<!tpu.dma_semaphore, #tpu.memory_space<semaphore_mem>>)
      %add3A_294 = arith.constant 4 : i32
      %add3A_295 = arith.addi %add3A_228, %add3A_294 : i32
      %mul3A_296 = arith.constant 80 : i32
      %mul3A_297 = arith.muli %add3A_295, %mul3A_296 : i32
      %add3A_298 = arith.addi %mul3A_2, %mul3A_297 : i32
      %dma_start3A_299 = arith.constant 0 : i32
      %dma_start3A_300 = arith.constant 0 : i32
      %dma_start3A_301 = arith.constant 0 : i32
      %dma_start3A_302 = tpu.memref_slice %arg5[%dma_start3A_299, %dma_start3A_301] : memref<4x80xi32, #tpu.memory_space<vmem>> -> memref<1x80xi32, #tpu.memory_space<vmem>>
      %dma_start3A_303 = tpu.memref_squeeze %dma_start3A_302 : memref<1x80xi32, #tpu.memory_space<vmem>> -> memref<80xi32, #tpu.memory_space<vmem>>
      %dma_start3A_304 = tpu.memref_slice %arg3[%add3A_298] : memref<320000xi32, #tpu.memory_space<hbm>> -> memref<80xi32, #tpu.memory_space<hbm>>
      %dma_start3A_305 = tpu.memref_slice %arg8[%dma_start3A_300] : memref<4x!tpu.dma_semaphore, #tpu.memory_space<semaphore_mem>> -> memref<1x!tpu.dma_semaphore, #tpu.memory_space<semaphore_mem>>
      %dma_start3A_306 = tpu.memref_squeeze %dma_start3A_305 : memref<1x!tpu.dma_semaphore, #tpu.memory_space<semaphore_mem>> -> memref<!tpu.dma_semaphore, #tpu.memory_space<semaphore_mem>>
      %dma_start3A_307 = arith.constant 0 : i32
      %dma_start3A_308 = tpu.memref_slice %arg5[%dma_start3A_299, %dma_start3A_307] : memref<4x80xi32, #tpu.memory_space<vmem>> -> memref<1x80xi32, #tpu.memory_space<vmem>>
      %dma_start3A_309 = tpu.memref_squeeze %dma_start3A_308 : memref<1x80xi32, #tpu.memory_space<vmem>> -> memref<80xi32, #tpu.memory_space<vmem>>
      %dma_start3A_310 = tpu.memref_slice %arg3[%add3A_298] : memref<320000xi32, #tpu.memory_space<hbm>> -> memref<80xi32, #tpu.memory_space<hbm>>
      tpu.enqueue_dma source(%dma_start3A_310 : memref<80xi32, #tpu.memory_space<hbm>>) target(%dma_start3A_309 : memref<80xi32, #tpu.memory_space<vmem>>) target_semaphore(%dma_start3A_306 : memref<!tpu.dma_semaphore, #tpu.memory_space<semaphore_mem>>)
      %mul3A_311 = arith.constant 4 : i32
      %mul3A_312 = arith.muli %scan3A_224, %mul3A_311 : i32
      %add3A_313 = arith.constant 1 : i32
      %add3A_314 = arith.addi %mul3A_312, %add3A_313 : i32
      %gt3A_315 = arith.constant 0 : i32
      %gt3A_316 = arith.cmpi sgt, %scan3A_224, %gt3A_315 : i32
      %convert_element_type3A_317 = arith.extui %gt3A_316 : i1 to i32
      %cond3A_318 = arith.constant 0 : i32
      %cond3A_319 = arith.cmpi ne, %convert_element_type3A_317, %cond3A_318 : i32
      scf.if %cond3A_319 {
        %dma_wait3A_543 = arith.constant 3 : i32
        %dma_wait3A_544 = arith.constant 3 : i32
        %dma_wait3A_545 = arith.constant 0 : i32
        %dma_wait3A_546 = arith.constant 0 : i32
        %dma_wait3A_547 = tpu.memref_slice %arg6[%dma_wait3A_543, %dma_wait3A_545, %dma_wait3A_546] : memref<4x80x128xf32, #tpu.memory_space<vmem>> -> memref<1x80x128xf32, #tpu.memory_space<vmem>>
        %dma_wait3A_548 = tpu.memref_squeeze %dma_wait3A_547 : memref<1x80x128xf32, #tpu.memory_space<vmem>> -> memref<80x128xf32, #tpu.memory_space<vmem>>
        %dma_wait3A_549 = arith.constant 0 : i32
        %dma_wait3A_550 = arith.constant 0 : i32
        %dma_wait3A_551 = tpu.memref_slice %arg4[%dma_wait3A_549, %dma_wait3A_550] : memref<320000x128xf32, #tpu.memory_space<hbm>> -> memref<80x128xf32, #tpu.memory_space<hbm>>
        %dma_wait3A_552 = tpu.memref_slice %arg10[%dma_wait3A_544] : memref<4x!tpu.dma_semaphore, #tpu.memory_space<semaphore_mem>> -> memref<1x!tpu.dma_semaphore, #tpu.memory_space<semaphore_mem>>
        %dma_wait3A_553 = tpu.memref_squeeze %dma_wait3A_552 : memref<1x!tpu.dma_semaphore, #tpu.memory_space<semaphore_mem>> -> memref<!tpu.dma_semaphore, #tpu.memory_space<semaphore_mem>>
        %dma_wait3A_554 = arith.constant 0 : i32
        %dma_wait3A_555 = arith.constant 0 : i32
        %dma_wait3A_556 = tpu.memref_slice %arg4[%dma_wait3A_554, %dma_wait3A_555] : memref<320000x128xf32, #tpu.memory_space<hbm>> -> memref<80x128xf32, #tpu.memory_space<hbm>>
        %dma_wait3A_557 = arith.constant 0 : i32
        %dma_wait3A_558 = arith.constant 0 : i32
        %dma_wait3A_559 = tpu.memref_slice %arg6[%dma_wait3A_543, %dma_wait3A_557, %dma_wait3A_558] : memref<4x80x128xf32, #tpu.memory_space<vmem>> -> memref<1x80x128xf32, #tpu.memory_space<vmem>>
        %dma_wait3A_560 = tpu.memref_squeeze %dma_wait3A_559 : memref<1x80x128xf32, #tpu.memory_space<vmem>> -> memref<80x128xf32, #tpu.memory_space<vmem>>
        tpu.wait_dma2 semaphore(%dma_wait3A_553 : memref<!tpu.dma_semaphore, #tpu.memory_space<semaphore_mem>>) src(%dma_wait3A_560 : memref<80x128xf32, #tpu.memory_space<vmem>>) dst(%dma_wait3A_556 : memref<80x128xf32, #tpu.memory_space<hbm>>)
      } else {
      }
      %dma_wait3A_320 = arith.constant 3 : i32
      %dma_wait3A_321 = arith.constant 3 : i32
      %dma_wait3A_322 = arith.constant 0 : i32
      %dma_wait3A_323 = tpu.memref_slice %arg5[%dma_wait3A_320, %dma_wait3A_322] : memref<4x80xi32, #tpu.memory_space<vmem>> -> memref<1x80xi32, #tpu.memory_space<vmem>>
      %dma_wait3A_324 = tpu.memref_squeeze %dma_wait3A_323 : memref<1x80xi32, #tpu.memory_space<vmem>> -> memref<80xi32, #tpu.memory_space<vmem>>
      %dma_wait3A_325 = arith.constant 0 : i32
      %dma_wait3A_326 = tpu.memref_slice %arg3[%dma_wait3A_325] : memref<320000xi32, #tpu.memory_space<hbm>> -> memref<80xi32, #tpu.memory_space<hbm>>
      %dma_wait3A_327 = tpu.memref_slice %arg8[%dma_wait3A_321] : memref<4x!tpu.dma_semaphore, #tpu.memory_space<semaphore_mem>> -> memref<1x!tpu.dma_semaphore, #tpu.memory_space<semaphore_mem>>
      %dma_wait3A_328 = tpu.memref_squeeze %dma_wait3A_327 : memref<1x!tpu.dma_semaphore, #tpu.memory_space<semaphore_mem>> -> memref<!tpu.dma_semaphore, #tpu.memory_space<semaphore_mem>>
      %dma_wait3A_329 = arith.constant 0 : i32
      %dma_wait3A_330 = tpu.memref_slice %arg5[%dma_wait3A_320, %dma_wait3A_329] : memref<4x80xi32, #tpu.memory_space<vmem>> -> memref<1x80xi32, #tpu.memory_space<vmem>>
      %dma_wait3A_331 = tpu.memref_squeeze %dma_wait3A_330 : memref<1x80xi32, #tpu.memory_space<vmem>> -> memref<80xi32, #tpu.memory_space<vmem>>
      %dma_wait3A_332 = arith.constant 0 : i32
      %dma_wait3A_333 = tpu.memref_slice %arg3[%dma_wait3A_332] : memref<320000xi32, #tpu.memory_space<hbm>> -> memref<80xi32, #tpu.memory_space<hbm>>
      tpu.wait_dma2 semaphore(%dma_wait3A_328 : memref<!tpu.dma_semaphore, #tpu.memory_space<semaphore_mem>>) src(%dma_wait3A_333 : memref<80xi32, #tpu.memory_space<hbm>>) dst(%dma_wait3A_331 : memref<80xi32, #tpu.memory_space<vmem>>)
      %dma_start3A_334 = arith.constant 3 : i32
      %dma_start3A_335 = arith.constant 3 : i32
      %dma_start3A_336 = arith.constant 3 : i32
      %dma_start3A_337 = arith.constant 0 : i32
      %dma_start3A_338 = arith.constant 0 : i32
      %dma_start3A_339 = tpu.memref_slice %arg6[%dma_start3A_335, %dma_start3A_337, %dma_start3A_338] : memref<4x80x128xf32, #tpu.memory_space<vmem>> -> memref<1x80x128xf32, #tpu.memory_space<vmem>>
      %dma_start3A_340 = tpu.memref_squeeze %dma_start3A_339 : memref<1x80x128xf32, #tpu.memory_space<vmem>> -> memref<80x128xf32, #tpu.memory_space<vmem>>
      %dma_start3A_341 = arith.constant 0 : i32
      %dma_start3A_342 = tpu.memref_slice %arg5[%dma_start3A_334, %dma_start3A_341] : memref<4x80xi32, #tpu.memory_space<vmem>> -> memref<1x80xi32, #tpu.memory_space<vmem>>
      %dma_start3A_343 = tpu.memref_squeeze %dma_start3A_342 : memref<1x80xi32, #tpu.memory_space<vmem>> -> memref<80xi32, #tpu.memory_space<vmem>>
      %dma_start3A_344 = arith.constant 0 : i32
      %dma_start3A_345 = arith.constant 0 : i32
      %dma_start3A_346 = tpu.memref_slice %arg7[%dma_start3A_344, %dma_start3A_345] : memref<10000x128xf32, #tpu.memory_space<vmem_shared>> -> memref<10000x128xf32, #tpu.memory_space<vmem_shared>>
      %dma_start3A_347 = tpu.memref_slice %arg9[%dma_start3A_336] : memref<4x!tpu.dma_semaphore, #tpu.memory_space<semaphore_mem>> -> memref<1x!tpu.dma_semaphore, #tpu.memory_space<semaphore_mem>>
      %dma_start3A_348 = tpu.memref_squeeze %dma_start3A_347 : memref<1x!tpu.dma_semaphore, #tpu.memory_space<semaphore_mem>> -> memref<!tpu.dma_semaphore, #tpu.memory_space<semaphore_mem>>
      tpu.enqueue_indirect_dma source(%dma_start3A_346 : memref<10000x128xf32, #tpu.memory_space<vmem_shared>>) target(%dma_start3A_340 : memref<80x128xf32, #tpu.memory_space<vmem>>) offsets(%dma_start3A_343 : memref<80xi32, #tpu.memory_space<vmem>>) semaphore(%dma_start3A_348 : memref<!tpu.dma_semaphore, #tpu.memory_space<semaphore_mem>>)
      %dma_wait3A_349 = arith.constant 0 : i32
      %dma_wait3A_350 = arith.constant 1 : i32
      %dma_wait3A_351 = arith.constant 1 : i32
      %dma_wait3A_352 = arith.constant 0 : i32
      %dma_wait3A_353 = arith.constant 0 : i32
      %dma_wait3A_354 = tpu.memref_slice %arg6[%dma_wait3A_350, %dma_wait3A_352, %dma_wait3A_353] : memref<4x80x128xf32, #tpu.memory_space<vmem>> -> memref<1x80x128xf32, #tpu.memory_space<vmem>>
      %dma_wait3A_355 = tpu.memref_squeeze %dma_wait3A_354 : memref<1x80x128xf32, #tpu.memory_space<vmem>> -> memref<80x128xf32, #tpu.memory_space<vmem>>
      %dma_wait3A_356 = arith.constant 0 : i32
      %dma_wait3A_357 = tpu.memref_slice %arg5[%dma_wait3A_349, %dma_wait3A_356] : memref<4x80xi32, #tpu.memory_space<vmem>> -> memref<1x80xi32, #tpu.memory_space<vmem>>
      %dma_wait3A_358 = tpu.memref_squeeze %dma_wait3A_357 : memref<1x80xi32, #tpu.memory_space<vmem>> -> memref<80xi32, #tpu.memory_space<vmem>>
      %dma_wait3A_359 = arith.constant 0 : i32
      %dma_wait3A_360 = arith.constant 0 : i32
      %dma_wait3A_361 = tpu.memref_slice %arg7[%dma_wait3A_359, %dma_wait3A_360] : memref<10000x128xf32, #tpu.memory_space<vmem_shared>> -> memref<10000x128xf32, #tpu.memory_space<vmem_shared>>
      %dma_wait3A_362 = tpu.memref_slice %arg9[%dma_wait3A_351] : memref<4x!tpu.dma_semaphore, #tpu.memory_space<semaphore_mem>> -> memref<1x!tpu.dma_semaphore, #tpu.memory_space<semaphore_mem>>
      %dma_wait3A_363 = tpu.memref_squeeze %dma_wait3A_362 : memref<1x!tpu.dma_semaphore, #tpu.memory_space<semaphore_mem>> -> memref<!tpu.dma_semaphore, #tpu.memory_space<semaphore_mem>>
      tpu.wait_indirect_dma semaphore(%dma_wait3A_363 : memref<!tpu.dma_semaphore, #tpu.memory_space<semaphore_mem>>) src(%dma_wait3A_361 : memref<10000x128xf32, #tpu.memory_space<vmem_shared>>) dst(%dma_wait3A_355 : memref<80x128xf32, #tpu.memory_space<vmem>>)
      %mul3A_364 = arith.constant 80 : i32
      %mul3A_365 = arith.muli %add3A_314, %mul3A_364 : i32
      %add3A_366 = arith.addi %mul3A_2, %mul3A_365 : i32
      %dma_start3A_367 = arith.constant 1 : i32
      %dma_start3A_368 = arith.constant 1 : i32
      %dma_start3A_369 = arith.constant 0 : i32
      %dma_start3A_370 = arith.constant 0 : i32
      %dma_start3A_371 = tpu.memref_slice %arg6[%dma_start3A_367, %dma_start3A_369, %dma_start3A_370] : memref<4x80x128xf32, #tpu.memory_space<vmem>> -> memref<1x80x128xf32, #tpu.memory_space<vmem>>
      %dma_start3A_372 = tpu.memref_squeeze %dma_start3A_371 : memref<1x80x128xf32, #tpu.memory_space<vmem>> -> memref<80x128xf32, #tpu.memory_space<vmem>>
      %dma_start3A_373 = arith.constant 0 : i32
      %dma_start3A_374 = tpu.memref_slice %arg4[%add3A_366, %dma_start3A_373] : memref<320000x128xf32, #tpu.memory_space<hbm>> -> memref<80x128xf32, #tpu.memory_space<hbm>>
      %dma_start3A_375 = tpu.memref_slice %arg10[%dma_start3A_368] : memref<4x!tpu.dma_semaphore, #tpu.memory_space<semaphore_mem>> -> memref<1x!tpu.dma_semaphore, #tpu.memory_space<semaphore_mem>>
      %dma_start3A_376 = tpu.memref_squeeze %dma_start3A_375 : memref<1x!tpu.dma_semaphore, #tpu.memory_space<semaphore_mem>> -> memref<!tpu.dma_semaphore, #tpu.memory_space<semaphore_mem>>
      %dma_start3A_377 = arith.constant 0 : i32
      %dma_start3A_378 = tpu.memref_slice %arg4[%add3A_366, %dma_start3A_377] : memref<320000x128xf32, #tpu.memory_space<hbm>> -> memref<80x128xf32, #tpu.memory_space<hbm>>
      %dma_start3A_379 = arith.constant 0 : i32
      %dma_start3A_380 = arith.constant 0 : i32
      %dma_start3A_381 = tpu.memref_slice %arg6[%dma_start3A_367, %dma_start3A_379, %dma_start3A_380] : memref<4x80x128xf32, #tpu.memory_space<vmem>> -> memref<1x80x128xf32, #tpu.memory_space<vmem>>
      %dma_start3A_382 = tpu.memref_squeeze %dma_start3A_381 : memref<1x80x128xf32, #tpu.memory_space<vmem>> -> memref<80x128xf32, #tpu.memory_space<vmem>>
      tpu.enqueue_dma source(%dma_start3A_382 : memref<80x128xf32, #tpu.memory_space<vmem>>) target(%dma_start3A_378 : memref<80x128xf32, #tpu.memory_space<hbm>>) target_semaphore(%dma_start3A_376 : memref<!tpu.dma_semaphore, #tpu.memory_space<semaphore_mem>>)
      %lt3A = arith.constant 30 : i32
      %lt3A_383 = arith.cmpi slt, %scan3A_224, %lt3A : i32
      %convert_element_type3A_384 = arith.extui %lt3A_383 : i1 to i32
      %cond3A_385 = arith.constant 0 : i32
      %cond3A_386 = arith.cmpi ne, %convert_element_type3A_384, %cond3A_385 : i32
      scf.if %cond3A_386 {
        %add3A_543 = arith.constant 4 : i32
        %add3A_544 = arith.addi %add3A_314, %add3A_543 : i32
        %mul3A_545 = arith.constant 80 : i32
        %mul3A_546 = arith.muli %add3A_544, %mul3A_545 : i32
        %add3A_547 = arith.addi %mul3A_2, %mul3A_546 : i32
        %dma_start3A_548 = arith.constant 1 : i32
        %dma_start3A_549 = arith.constant 1 : i32
        %dma_start3A_550 = arith.constant 0 : i32
        %dma_start3A_551 = tpu.memref_slice %arg5[%dma_start3A_548, %dma_start3A_550] : memref<4x80xi32, #tpu.memory_space<vmem>> -> memref<1x80xi32, #tpu.memory_space<vmem>>
        %dma_start3A_552 = tpu.memref_squeeze %dma_start3A_551 : memref<1x80xi32, #tpu.memory_space<vmem>> -> memref<80xi32, #tpu.memory_space<vmem>>
        %dma_start3A_553 = tpu.memref_slice %arg3[%add3A_547] : memref<320000xi32, #tpu.memory_space<hbm>> -> memref<80xi32, #tpu.memory_space<hbm>>
        %dma_start3A_554 = tpu.memref_slice %arg8[%dma_start3A_549] : memref<4x!tpu.dma_semaphore, #tpu.memory_space<semaphore_mem>> -> memref<1x!tpu.dma_semaphore, #tpu.memory_space<semaphore_mem>>
        %dma_start3A_555 = tpu.memref_squeeze %dma_start3A_554 : memref<1x!tpu.dma_semaphore, #tpu.memory_space<semaphore_mem>> -> memref<!tpu.dma_semaphore, #tpu.memory_space<semaphore_mem>>
        %dma_start3A_556 = arith.constant 0 : i32
        %dma_start3A_557 = tpu.memref_slice %arg5[%dma_start3A_548, %dma_start3A_556] : memref<4x80xi32, #tpu.memory_space<vmem>> -> memref<1x80xi32, #tpu.memory_space<vmem>>
        %dma_start3A_558 = tpu.memref_squeeze %dma_start3A_557 : memref<1x80xi32, #tpu.memory_space<vmem>> -> memref<80xi32, #tpu.memory_space<vmem>>
        %dma_start3A_559 = tpu.memref_slice %arg3[%add3A_547] : memref<320000xi32, #tpu.memory_space<hbm>> -> memref<80xi32, #tpu.memory_space<hbm>>
        tpu.enqueue_dma source(%dma_start3A_559 : memref<80xi32, #tpu.memory_space<hbm>>) target(%dma_start3A_558 : memref<80xi32, #tpu.memory_space<vmem>>) target_semaphore(%dma_start3A_555 : memref<!tpu.dma_semaphore, #tpu.memory_space<semaphore_mem>>)
      } else {
      }
      %mul3A_387 = arith.constant 4 : i32
      %mul3A_388 = arith.muli %scan3A_224, %mul3A_387 : i32
      %add3A_389 = arith.constant 2 : i32
      %add3A_390 = arith.addi %mul3A_388, %add3A_389 : i32
      %dma_wait3A_391 = arith.constant 0 : i32
      %dma_wait3A_392 = arith.constant 0 : i32
      %dma_wait3A_393 = arith.constant 0 : i32
      %dma_wait3A_394 = arith.constant 0 : i32
      %dma_wait3A_395 = tpu.memref_slice %arg6[%dma_wait3A_391, %dma_wait3A_393, %dma_wait3A_394] : memref<4x80x128xf32, #tpu.memory_space<vmem>> -> memref<1x80x128xf32, #tpu.memory_space<vmem>>
      %dma_wait3A_396 = tpu.memref_squeeze %dma_wait3A_395 : memref<1x80x128xf32, #tpu.memory_space<vmem>> -> memref<80x128xf32, #tpu.memory_space<vmem>>
      %dma_wait3A_397 = arith.constant 0 : i32
      %dma_wait3A_398 = arith.constant 0 : i32
      %dma_wait3A_399 = tpu.memref_slice %arg4[%dma_wait3A_397, %dma_wait3A_398] : memref<320000x128xf32, #tpu.memory_space<hbm>> -> memref<80x128xf32, #tpu.memory_space<hbm>>
      %dma_wait3A_400 = tpu.memref_slice %arg10[%dma_wait3A_392] : memref<4x!tpu.dma_semaphore, #tpu.memory_space<semaphore_mem>> -> memref<1x!tpu.dma_semaphore, #tpu.memory_space<semaphore_mem>>
      %dma_wait3A_401 = tpu.memref_squeeze %dma_wait3A_400 : memref<1x!tpu.dma_semaphore, #tpu.memory_space<semaphore_mem>> -> memref<!tpu.dma_semaphore, #tpu.memory_space<semaphore_mem>>
      %dma_wait3A_402 = arith.constant 0 : i32
      %dma_wait3A_403 = arith.constant 0 : i32
      %dma_wait3A_404 = tpu.memref_slice %arg4[%dma_wait3A_402, %dma_wait3A_403] : memref<320000x128xf32, #tpu.memory_space<hbm>> -> memref<80x128xf32, #tpu.memory_space<hbm>>
      %dma_wait3A_405 = arith.constant 0 : i32
      %dma_wait3A_406 = arith.constant 0 : i32
      %dma_wait3A_407 = tpu.memref_slice %arg6[%dma_wait3A_391, %dma_wait3A_405, %dma_wait3A_406] : memref<4x80x128xf32, #tpu.memory_space<vmem>> -> memref<1x80x128xf32, #tpu.memory_space<vmem>>
      %dma_wait3A_408 = tpu.memref_squeeze %dma_wait3A_407 : memref<1x80x128xf32, #tpu.memory_space<vmem>> -> memref<80x128xf32, #tpu.memory_space<vmem>>
      tpu.wait_dma2 semaphore(%dma_wait3A_401 : memref<!tpu.dma_semaphore, #tpu.memory_space<semaphore_mem>>) src(%dma_wait3A_408 : memref<80x128xf32, #tpu.memory_space<vmem>>) dst(%dma_wait3A_404 : memref<80x128xf32, #tpu.memory_space<hbm>>)
      %dma_wait3A_409 = arith.constant 0 : i32
      %dma_wait3A_410 = arith.constant 0 : i32
      %dma_wait3A_411 = arith.constant 0 : i32
      %dma_wait3A_412 = tpu.memref_slice %arg5[%dma_wait3A_409, %dma_wait3A_411] : memref<4x80xi32, #tpu.memory_space<vmem>> -> memref<1x80xi32, #tpu.memory_space<vmem>>
      %dma_wait3A_413 = tpu.memref_squeeze %dma_wait3A_412 : memref<1x80xi32, #tpu.memory_space<vmem>> -> memref<80xi32, #tpu.memory_space<vmem>>
      %dma_wait3A_414 = arith.constant 0 : i32
      %dma_wait3A_415 = tpu.memref_slice %arg3[%dma_wait3A_414] : memref<320000xi32, #tpu.memory_space<hbm>> -> memref<80xi32, #tpu.memory_space<hbm>>
      %dma_wait3A_416 = tpu.memref_slice %arg8[%dma_wait3A_410] : memref<4x!tpu.dma_semaphore, #tpu.memory_space<semaphore_mem>> -> memref<1x!tpu.dma_semaphore, #tpu.memory_space<semaphore_mem>>
      %dma_wait3A_417 = tpu.memref_squeeze %dma_wait3A_416 : memref<1x!tpu.dma_semaphore, #tpu.memory_space<semaphore_mem>> -> memref<!tpu.dma_semaphore, #tpu.memory_space<semaphore_mem>>
      %dma_wait3A_418 = arith.constant 0 : i32
      %dma_wait3A_419 = tpu.memref_slice %arg5[%dma_wait3A_409, %dma_wait3A_418] : memref<4x80xi32, #tpu.memory_space<vmem>> -> memref<1x80xi32, #tpu.memory_space<vmem>>
      %dma_wait3A_420 = tpu.memref_squeeze %dma_wait3A_419 : memref<1x80xi32, #tpu.memory_space<vmem>> -> memref<80xi32, #tpu.memory_space<vmem>>
      %dma_wait3A_421 = arith.constant 0 : i32
      %dma_wait3A_422 = tpu.memref_slice %arg3[%dma_wait3A_421] : memref<320000xi32, #tpu.memory_space<hbm>> -> memref<80xi32, #tpu.memory_space<hbm>>
      tpu.wait_dma2 semaphore(%dma_wait3A_417 : memref<!tpu.dma_semaphore, #tpu.memory_space<semaphore_mem>>) src(%dma_wait3A_422 : memref<80xi32, #tpu.memory_space<hbm>>) dst(%dma_wait3A_420 : memref<80xi32, #tpu.memory_space<vmem>>)
      %dma_start3A_423 = arith.constant 0 : i32
      %dma_start3A_424 = arith.constant 0 : i32
      %dma_start3A_425 = arith.constant 0 : i32
      %dma_start3A_426 = arith.constant 0 : i32
      %dma_start3A_427 = arith.constant 0 : i32
      %dma_start3A_428 = tpu.memref_slice %arg6[%dma_start3A_424, %dma_start3A_426, %dma_start3A_427] : memref<4x80x128xf32, #tpu.memory_space<vmem>> -> memref<1x80x128xf32, #tpu.memory_space<vmem>>
      %dma_start3A_429 = tpu.memref_squeeze %dma_start3A_428 : memref<1x80x128xf32, #tpu.memory_space<vmem>> -> memref<80x128xf32, #tpu.memory_space<vmem>>
      %dma_start3A_430 = arith.constant 0 : i32
      %dma_start3A_431 = tpu.memref_slice %arg5[%dma_start3A_423, %dma_start3A_430] : memref<4x80xi32, #tpu.memory_space<vmem>> -> memref<1x80xi32, #tpu.memory_space<vmem>>
      %dma_start3A_432 = tpu.memref_squeeze %dma_start3A_431 : memref<1x80xi32, #tpu.memory_space<vmem>> -> memref<80xi32, #tpu.memory_space<vmem>>
      %dma_start3A_433 = arith.constant 0 : i32
      %dma_start3A_434 = arith.constant 0 : i32
      %dma_start3A_435 = tpu.memref_slice %arg7[%dma_start3A_433, %dma_start3A_434] : memref<10000x128xf32, #tpu.memory_space<vmem_shared>> -> memref<10000x128xf32, #tpu.memory_space<vmem_shared>>
      %dma_start3A_436 = tpu.memref_slice %arg9[%dma_start3A_425] : memref<4x!tpu.dma_semaphore, #tpu.memory_space<semaphore_mem>> -> memref<1x!tpu.dma_semaphore, #tpu.memory_space<semaphore_mem>>
      %dma_start3A_437 = tpu.memref_squeeze %dma_start3A_436 : memref<1x!tpu.dma_semaphore, #tpu.memory_space<semaphore_mem>> -> memref<!tpu.dma_semaphore, #tpu.memory_space<semaphore_mem>>
      tpu.enqueue_indirect_dma source(%dma_start3A_435 : memref<10000x128xf32, #tpu.memory_space<vmem_shared>>) target(%dma_start3A_429 : memref<80x128xf32, #tpu.memory_space<vmem>>) offsets(%dma_start3A_432 : memref<80xi32, #tpu.memory_space<vmem>>) semaphore(%dma_start3A_437 : memref<!tpu.dma_semaphore, #tpu.memory_space<semaphore_mem>>)
      %dma_wait3A_438 = arith.constant 0 : i32
      %dma_wait3A_439 = arith.constant 2 : i32
      %dma_wait3A_440 = arith.constant 2 : i32
      %dma_wait3A_441 = arith.constant 0 : i32
      %dma_wait3A_442 = arith.constant 0 : i32
      %dma_wait3A_443 = tpu.memref_slice %arg6[%dma_wait3A_439, %dma_wait3A_441, %dma_wait3A_442] : memref<4x80x128xf32, #tpu.memory_space<vmem>> -> memref<1x80x128xf32, #tpu.memory_space<vmem>>
      %dma_wait3A_444 = tpu.memref_squeeze %dma_wait3A_443 : memref<1x80x128xf32, #tpu.memory_space<vmem>> -> memref<80x128xf32, #tpu.memory_space<vmem>>
      %dma_wait3A_445 = arith.constant 0 : i32
      %dma_wait3A_446 = tpu.memref_slice %arg5[%dma_wait3A_438, %dma_wait3A_445] : memref<4x80xi32, #tpu.memory_space<vmem>> -> memref<1x80xi32, #tpu.memory_space<vmem>>
      %dma_wait3A_447 = tpu.memref_squeeze %dma_wait3A_446 : memref<1x80xi32, #tpu.memory_space<vmem>> -> memref<80xi32, #tpu.memory_space<vmem>>
      %dma_wait3A_448 = arith.constant 0 : i32
      %dma_wait3A_449 = arith.constant 0 : i32
      %dma_wait3A_450 = tpu.memref_slice %arg7[%dma_wait3A_448, %dma_wait3A_449] : memref<10000x128xf32, #tpu.memory_space<vmem_shared>> -> memref<10000x128xf32, #tpu.memory_space<vmem_shared>>
      %dma_wait3A_451 = tpu.memref_slice %arg9[%dma_wait3A_440] : memref<4x!tpu.dma_semaphore, #tpu.memory_space<semaphore_mem>> -> memref<1x!tpu.dma_semaphore, #tpu.memory_space<semaphore_mem>>
      %dma_wait3A_452 = tpu.memref_squeeze %dma_wait3A_451 : memref<1x!tpu.dma_semaphore, #tpu.memory_space<semaphore_mem>> -> memref<!tpu.dma_semaphore, #tpu.memory_space<semaphore_mem>>
      tpu.wait_indirect_dma semaphore(%dma_wait3A_452 : memref<!tpu.dma_semaphore, #tpu.memory_space<semaphore_mem>>) src(%dma_wait3A_450 : memref<10000x128xf32, #tpu.memory_space<vmem_shared>>) dst(%dma_wait3A_444 : memref<80x128xf32, #tpu.memory_space<vmem>>)
      %mul3A_453 = arith.constant 80 : i32
      %mul3A_454 = arith.muli %add3A_390, %mul3A_453 : i32
      %add3A_455 = arith.addi %mul3A_2, %mul3A_454 : i32
      %dma_start3A_456 = arith.constant 2 : i32
      %dma_start3A_457 = arith.constant 2 : i32
      %dma_start3A_458 = arith.constant 0 : i32
      %dma_start3A_459 = arith.constant 0 : i32
      %dma_start3A_460 = tpu.memref_slice %arg6[%dma_start3A_456, %dma_start3A_458, %dma_start3A_459] : memref<4x80x128xf32, #tpu.memory_space<vmem>> -> memref<1x80x128xf32, #tpu.memory_space<vmem>>
      %dma_start3A_461 = tpu.memref_squeeze %dma_start3A_460 : memref<1x80x128xf32, #tpu.memory_space<vmem>> -> memref<80x128xf32, #tpu.memory_space<vmem>>
      %dma_start3A_462 = arith.constant 0 : i32
      %dma_start3A_463 = tpu.memref_slice %arg4[%add3A_455, %dma_start3A_462] : memref<320000x128xf32, #tpu.memory_space<hbm>> -> memref<80x128xf32, #tpu.memory_space<hbm>>
      %dma_start3A_464 = tpu.memref_slice %arg10[%dma_start3A_457] : memref<4x!tpu.dma_semaphore, #tpu.memory_space<semaphore_mem>> -> memref<1x!tpu.dma_semaphore, #tpu.memory_space<semaphore_mem>>
      %dma_start3A_465 = tpu.memref_squeeze %dma_start3A_464 : memref<1x!tpu.dma_semaphore, #tpu.memory_space<semaphore_mem>> -> memref<!tpu.dma_semaphore, #tpu.memory_space<semaphore_mem>>
      %dma_start3A_466 = arith.constant 0 : i32
      %dma_start3A_467 = tpu.memref_slice %arg4[%add3A_455, %dma_start3A_466] : memref<320000x128xf32, #tpu.memory_space<hbm>> -> memref<80x128xf32, #tpu.memory_space<hbm>>
      %dma_start3A_468 = arith.constant 0 : i32
      %dma_start3A_469 = arith.constant 0 : i32
      %dma_start3A_470 = tpu.memref_slice %arg6[%dma_start3A_456, %dma_start3A_468, %dma_start3A_469] : memref<4x80x128xf32, #tpu.memory_space<vmem>> -> memref<1x80x128xf32, #tpu.memory_space<vmem>>
      %dma_start3A_471 = tpu.memref_squeeze %dma_start3A_470 : memref<1x80x128xf32, #tpu.memory_space<vmem>> -> memref<80x128xf32, #tpu.memory_space<vmem>>
      tpu.enqueue_dma source(%dma_start3A_471 : memref<80x128xf32, #tpu.memory_space<vmem>>) target(%dma_start3A_467 : memref<80x128xf32, #tpu.memory_space<hbm>>) target_semaphore(%dma_start3A_465 : memref<!tpu.dma_semaphore, #tpu.memory_space<semaphore_mem>>)
      %lt3A_472 = arith.constant 30 : i32
      %lt3A_473 = arith.cmpi slt, %scan3A_224, %lt3A_472 : i32
      %convert_element_type3A_474 = arith.extui %lt3A_473 : i1 to i32
      %cond3A_475 = arith.constant 0 : i32
      %cond3A_476 = arith.cmpi ne, %convert_element_type3A_474, %cond3A_475 : i32
      scf.if %cond3A_476 {
        %add3A_543 = arith.constant 4 : i32
        %add3A_544 = arith.addi %add3A_390, %add3A_543 : i32
        %mul3A_545 = arith.constant 80 : i32
        %mul3A_546 = arith.muli %add3A_544, %mul3A_545 : i32
        %add3A_547 = arith.addi %mul3A_2, %mul3A_546 : i32
        %dma_start3A_548 = arith.constant 2 : i32
        %dma_start3A_549 = arith.constant 2 : i32
        %dma_start3A_550 = arith.constant 0 : i32
        %dma_start3A_551 = tpu.memref_slice %arg5[%dma_start3A_548, %dma_start3A_550] : memref<4x80xi32, #tpu.memory_space<vmem>> -> memref<1x80xi32, #tpu.memory_space<vmem>>
        %dma_start3A_552 = tpu.memref_squeeze %dma_start3A_551 : memref<1x80xi32, #tpu.memory_space<vmem>> -> memref<80xi32, #tpu.memory_space<vmem>>
        %dma_start3A_553 = tpu.memref_slice %arg3[%add3A_547] : memref<320000xi32, #tpu.memory_space<hbm>> -> memref<80xi32, #tpu.memory_space<hbm>>
        %dma_start3A_554 = tpu.memref_slice %arg8[%dma_start3A_549] : memref<4x!tpu.dma_semaphore, #tpu.memory_space<semaphore_mem>> -> memref<1x!tpu.dma_semaphore, #tpu.memory_space<semaphore_mem>>
        %dma_start3A_555 = tpu.memref_squeeze %dma_start3A_554 : memref<1x!tpu.dma_semaphore, #tpu.memory_space<semaphore_mem>> -> memref<!tpu.dma_semaphore, #tpu.memory_space<semaphore_mem>>
        %dma_start3A_556 = arith.constant 0 : i32
        %dma_start3A_557 = tpu.memref_slice %arg5[%dma_start3A_548, %dma_start3A_556] : memref<4x80xi32, #tpu.memory_space<vmem>> -> memref<1x80xi32, #tpu.memory_space<vmem>>
        %dma_start3A_558 = tpu.memref_squeeze %dma_start3A_557 : memref<1x80xi32, #tpu.memory_space<vmem>> -> memref<80xi32, #tpu.memory_space<vmem>>
        %dma_start3A_559 = tpu.memref_slice %arg3[%add3A_547] : memref<320000xi32, #tpu.memory_space<hbm>> -> memref<80xi32, #tpu.memory_space<hbm>>
        tpu.enqueue_dma source(%dma_start3A_559 : memref<80xi32, #tpu.memory_space<hbm>>) target(%dma_start3A_558 : memref<80xi32, #tpu.memory_space<vmem>>) target_semaphore(%dma_start3A_555 : memref<!tpu.dma_semaphore, #tpu.memory_space<semaphore_mem>>)
      } else {
      }
      %mul3A_477 = arith.constant 4 : i32
      %mul3A_478 = arith.muli %scan3A_224, %mul3A_477 : i32
      %add3A_479 = arith.constant 3 : i32
      %add3A_480 = arith.addi %mul3A_478, %add3A_479 : i32
      %dma_wait3A_481 = arith.constant 1 : i32
      %dma_wait3A_482 = arith.constant 1 : i32
      %dma_wait3A_483 = arith.constant 0 : i32
      %dma_wait3A_484 = arith.constant 0 : i32
      %dma_wait3A_485 = tpu.memref_slice %arg6[%dma_wait3A_481, %dma_wait3A_483, %dma_wait3A_484] : memref<4x80x128xf32, #tpu.memory_space<vmem>> -> memref<1x80x128xf32, #tpu.memory_space<vmem>>
      %dma_wait3A_486 = tpu.memref_squeeze %dma_wait3A_485 : memref<1x80x128xf32, #tpu.memory_space<vmem>> -> memref<80x128xf32, #tpu.memory_space<vmem>>
      %dma_wait3A_487 = arith.constant 0 : i32
      %dma_wait3A_488 = arith.constant 0 : i32
      %dma_wait3A_489 = tpu.memref_slice %arg4[%dma_wait3A_487, %dma_wait3A_488] : memref<320000x128xf32, #tpu.memory_space<hbm>> -> memref<80x128xf32, #tpu.memory_space<hbm>>
      %dma_wait3A_490 = tpu.memref_slice %arg10[%dma_wait3A_482] : memref<4x!tpu.dma_semaphore, #tpu.memory_space<semaphore_mem>> -> memref<1x!tpu.dma_semaphore, #tpu.memory_space<semaphore_mem>>
      %dma_wait3A_491 = tpu.memref_squeeze %dma_wait3A_490 : memref<1x!tpu.dma_semaphore, #tpu.memory_space<semaphore_mem>> -> memref<!tpu.dma_semaphore, #tpu.memory_space<semaphore_mem>>
      %dma_wait3A_492 = arith.constant 0 : i32
      %dma_wait3A_493 = arith.constant 0 : i32
      %dma_wait3A_494 = tpu.memref_slice %arg4[%dma_wait3A_492, %dma_wait3A_493] : memref<320000x128xf32, #tpu.memory_space<hbm>> -> memref<80x128xf32, #tpu.memory_space<hbm>>
      %dma_wait3A_495 = arith.constant 0 : i32
      %dma_wait3A_496 = arith.constant 0 : i32
      %dma_wait3A_497 = tpu.memref_slice %arg6[%dma_wait3A_481, %dma_wait3A_495, %dma_wait3A_496] : memref<4x80x128xf32, #tpu.memory_space<vmem>> -> memref<1x80x128xf32, #tpu.memory_space<vmem>>
      %dma_wait3A_498 = tpu.memref_squeeze %dma_wait3A_497 : memref<1x80x128xf32, #tpu.memory_space<vmem>> -> memref<80x128xf32, #tpu.memory_space<vmem>>
      tpu.wait_dma2 semaphore(%dma_wait3A_491 : memref<!tpu.dma_semaphore, #tpu.memory_space<semaphore_mem>>) src(%dma_wait3A_498 : memref<80x128xf32, #tpu.memory_space<vmem>>) dst(%dma_wait3A_494 : memref<80x128xf32, #tpu.memory_space<hbm>>)
      %lt3A_499 = arith.constant 30 : i32
      %lt3A_500 = arith.cmpi slt, %scan3A_224, %lt3A_499 : i32
      %convert_element_type3A_501 = arith.extui %lt3A_500 : i1 to i32
      %cond3A_502 = arith.constant 0 : i32
      %cond3A_503 = arith.cmpi ne, %convert_element_type3A_501, %cond3A_502 : i32
      scf.if %cond3A_503 {
        %dma_wait3A_543 = arith.constant 1 : i32
        %dma_wait3A_544 = arith.constant 1 : i32
        %dma_wait3A_545 = arith.constant 0 : i32
        %dma_wait3A_546 = tpu.memref_slice %arg5[%dma_wait3A_543, %dma_wait3A_545] : memref<4x80xi32, #tpu.memory_space<vmem>> -> memref<1x80xi32, #tpu.memory_space<vmem>>
        %dma_wait3A_547 = tpu.memref_squeeze %dma_wait3A_546 : memref<1x80xi32, #tpu.memory_space<vmem>> -> memref<80xi32, #tpu.memory_space<vmem>>
        %dma_wait3A_548 = arith.constant 0 : i32
        %dma_wait3A_549 = tpu.memref_slice %arg3[%dma_wait3A_548] : memref<320000xi32, #tpu.memory_space<hbm>> -> memref<80xi32, #tpu.memory_space<hbm>>
        %dma_wait3A_550 = tpu.memref_slice %arg8[%dma_wait3A_544] : memref<4x!tpu.dma_semaphore, #tpu.memory_space<semaphore_mem>> -> memref<1x!tpu.dma_semaphore, #tpu.memory_space<semaphore_mem>>
        %dma_wait3A_551 = tpu.memref_squeeze %dma_wait3A_550 : memref<1x!tpu.dma_semaphore, #tpu.memory_space<semaphore_mem>> -> memref<!tpu.dma_semaphore, #tpu.memory_space<semaphore_mem>>
        %dma_wait3A_552 = arith.constant 0 : i32
        %dma_wait3A_553 = tpu.memref_slice %arg5[%dma_wait3A_543, %dma_wait3A_552] : memref<4x80xi32, #tpu.memory_space<vmem>> -> memref<1x80xi32, #tpu.memory_space<vmem>>
        %dma_wait3A_554 = tpu.memref_squeeze %dma_wait3A_553 : memref<1x80xi32, #tpu.memory_space<vmem>> -> memref<80xi32, #tpu.memory_space<vmem>>
        %dma_wait3A_555 = arith.constant 0 : i32
        %dma_wait3A_556 = tpu.memref_slice %arg3[%dma_wait3A_555] : memref<320000xi32, #tpu.memory_space<hbm>> -> memref<80xi32, #tpu.memory_space<hbm>>
        tpu.wait_dma2 semaphore(%dma_wait3A_551 : memref<!tpu.dma_semaphore, #tpu.memory_space<semaphore_mem>>) src(%dma_wait3A_556 : memref<80xi32, #tpu.memory_space<hbm>>) dst(%dma_wait3A_554 : memref<80xi32, #tpu.memory_space<vmem>>)
        %dma_start3A_557 = arith.constant 1 : i32
        %dma_start3A_558 = arith.constant 1 : i32
        %dma_start3A_559 = arith.constant 1 : i32
        %dma_start3A_560 = arith.constant 0 : i32
        %dma_start3A_561 = arith.constant 0 : i32
        %dma_start3A_562 = tpu.memref_slice %arg6[%dma_start3A_558, %dma_start3A_560, %dma_start3A_561] : memref<4x80x128xf32, #tpu.memory_space<vmem>> -> memref<1x80x128xf32, #tpu.memory_space<vmem>>
        %dma_start3A_563 = tpu.memref_squeeze %dma_start3A_562 : memref<1x80x128xf32, #tpu.memory_space<vmem>> -> memref<80x128xf32, #tpu.memory_space<vmem>>
        %dma_start3A_564 = arith.constant 0 : i32
        %dma_start3A_565 = tpu.memref_slice %arg5[%dma_start3A_557, %dma_start3A_564] : memref<4x80xi32, #tpu.memory_space<vmem>> -> memref<1x80xi32, #tpu.memory_space<vmem>>
        %dma_start3A_566 = tpu.memref_squeeze %dma_start3A_565 : memref<1x80xi32, #tpu.memory_space<vmem>> -> memref<80xi32, #tpu.memory_space<vmem>>
        %dma_start3A_567 = arith.constant 0 : i32
        %dma_start3A_568 = arith.constant 0 : i32
        %dma_start3A_569 = tpu.memref_slice %arg7[%dma_start3A_567, %dma_start3A_568] : memref<10000x128xf32, #tpu.memory_space<vmem_shared>> -> memref<10000x128xf32, #tpu.memory_space<vmem_shared>>
        %dma_start3A_570 = tpu.memref_slice %arg9[%dma_start3A_559] : memref<4x!tpu.dma_semaphore, #tpu.memory_space<semaphore_mem>> -> memref<1x!tpu.dma_semaphore, #tpu.memory_space<semaphore_mem>>
        %dma_start3A_571 = tpu.memref_squeeze %dma_start3A_570 : memref<1x!tpu.dma_semaphore, #tpu.memory_space<semaphore_mem>> -> memref<!tpu.dma_semaphore, #tpu.memory_space<semaphore_mem>>
        tpu.enqueue_indirect_dma source(%dma_start3A_569 : memref<10000x128xf32, #tpu.memory_space<vmem_shared>>) target(%dma_start3A_563 : memref<80x128xf32, #tpu.memory_space<vmem>>) offsets(%dma_start3A_566 : memref<80xi32, #tpu.memory_space<vmem>>) semaphore(%dma_start3A_571 : memref<!tpu.dma_semaphore, #tpu.memory_space<semaphore_mem>>)
      } else {
      }
      %dma_wait3A_504 = arith.constant 0 : i32
      %dma_wait3A_505 = arith.constant 3 : i32
      %dma_wait3A_506 = arith.constant 3 : i32
      %dma_wait3A_507 = arith.constant 0 : i32
      %dma_wait3A_508 = arith.constant 0 : i32
      %dma_wait3A_509 = tpu.memref_slice %arg6[%dma_wait3A_505, %dma_wait3A_507, %dma_wait3A_508] : memref<4x80x128xf32, #tpu.memory_space<vmem>> -> memref<1x80x128xf32, #tpu.memory_space<vmem>>
      %dma_wait3A_510 = tpu.memref_squeeze %dma_wait3A_509 : memref<1x80x128xf32, #tpu.memory_space<vmem>> -> memref<80x128xf32, #tpu.memory_space<vmem>>
      %dma_wait3A_511 = arith.constant 0 : i32
      %dma_wait3A_512 = tpu.memref_slice %arg5[%dma_wait3A_504, %dma_wait3A_511] : memref<4x80xi32, #tpu.memory_space<vmem>> -> memref<1x80xi32, #tpu.memory_space<vmem>>
      %dma_wait3A_513 = tpu.memref_squeeze %dma_wait3A_512 : memref<1x80xi32, #tpu.memory_space<vmem>> -> memref<80xi32, #tpu.memory_space<vmem>>
      %dma_wait3A_514 = arith.constant 0 : i32
      %dma_wait3A_515 = arith.constant 0 : i32
      %dma_wait3A_516 = tpu.memref_slice %arg7[%dma_wait3A_514, %dma_wait3A_515] : memref<10000x128xf32, #tpu.memory_space<vmem_shared>> -> memref<10000x128xf32, #tpu.memory_space<vmem_shared>>
      %dma_wait3A_517 = tpu.memref_slice %arg9[%dma_wait3A_506] : memref<4x!tpu.dma_semaphore, #tpu.memory_space<semaphore_mem>> -> memref<1x!tpu.dma_semaphore, #tpu.memory_space<semaphore_mem>>
      %dma_wait3A_518 = tpu.memref_squeeze %dma_wait3A_517 : memref<1x!tpu.dma_semaphore, #tpu.memory_space<semaphore_mem>> -> memref<!tpu.dma_semaphore, #tpu.memory_space<semaphore_mem>>
      tpu.wait_indirect_dma semaphore(%dma_wait3A_518 : memref<!tpu.dma_semaphore, #tpu.memory_space<semaphore_mem>>) src(%dma_wait3A_516 : memref<10000x128xf32, #tpu.memory_space<vmem_shared>>) dst(%dma_wait3A_510 : memref<80x128xf32, #tpu.memory_space<vmem>>)
      %mul3A_519 = arith.constant 80 : i32
      %mul3A_520 = arith.muli %add3A_480, %mul3A_519 : i32
      %add3A_521 = arith.addi %mul3A_2, %mul3A_520 : i32
      %dma_start3A_522 = arith.constant 3 : i32
      %dma_start3A_523 = arith.constant 3 : i32
      %dma_start3A_524 = arith.constant 0 : i32
      %dma_start3A_525 = arith.constant 0 : i32
      %dma_start3A_526 = tpu.memref_slice %arg6[%dma_start3A_522, %dma_start3A_524, %dma_start3A_525] : memref<4x80x128xf32, #tpu.memory_space<vmem>> -> memref<1x80x128xf32, #tpu.memory_space<vmem>>
      %dma_start3A_527 = tpu.memref_squeeze %dma_start3A_526 : memref<1x80x128xf32, #tpu.memory_space<vmem>> -> memref<80x128xf32, #tpu.memory_space<vmem>>
      %dma_start3A_528 = arith.constant 0 : i32
      %dma_start3A_529 = tpu.memref_slice %arg4[%add3A_521, %dma_start3A_528] : memref<320000x128xf32, #tpu.memory_space<hbm>> -> memref<80x128xf32, #tpu.memory_space<hbm>>
      %dma_start3A_530 = tpu.memref_slice %arg10[%dma_start3A_523] : memref<4x!tpu.dma_semaphore, #tpu.memory_space<semaphore_mem>> -> memref<1x!tpu.dma_semaphore, #tpu.memory_space<semaphore_mem>>
      %dma_start3A_531 = tpu.memref_squeeze %dma_start3A_530 : memref<1x!tpu.dma_semaphore, #tpu.memory_space<semaphore_mem>> -> memref<!tpu.dma_semaphore, #tpu.memory_space<semaphore_mem>>
      %dma_start3A_532 = arith.constant 0 : i32
      %dma_start3A_533 = tpu.memref_slice %arg4[%add3A_521, %dma_start3A_532] : memref<320000x128xf32, #tpu.memory_space<hbm>> -> memref<80x128xf32, #tpu.memory_space<hbm>>
      %dma_start3A_534 = arith.constant 0 : i32
      %dma_start3A_535 = arith.constant 0 : i32
      %dma_start3A_536 = tpu.memref_slice %arg6[%dma_start3A_522, %dma_start3A_534, %dma_start3A_535] : memref<4x80x128xf32, #tpu.memory_space<vmem>> -> memref<1x80x128xf32, #tpu.memory_space<vmem>>
      %dma_start3A_537 = tpu.memref_squeeze %dma_start3A_536 : memref<1x80x128xf32, #tpu.memory_space<vmem>> -> memref<80x128xf32, #tpu.memory_space<vmem>>
      tpu.enqueue_dma source(%dma_start3A_537 : memref<80x128xf32, #tpu.memory_space<vmem>>) target(%dma_start3A_533 : memref<80x128xf32, #tpu.memory_space<hbm>>) target_semaphore(%dma_start3A_531 : memref<!tpu.dma_semaphore, #tpu.memory_space<semaphore_mem>>)
      %lt3A_538 = arith.constant 30 : i32
      %lt3A_539 = arith.cmpi slt, %scan3A_224, %lt3A_538 : i32
      %convert_element_type3A_540 = arith.extui %lt3A_539 : i1 to i32
      %cond3A_541 = arith.constant 0 : i32
      %cond3A_542 = arith.cmpi ne, %convert_element_type3A_540, %cond3A_541 : i32
      scf.if %cond3A_542 {
        %add3A_543 = arith.constant 4 : i32
        %add3A_544 = arith.addi %add3A_480, %add3A_543 : i32
        %mul3A_545 = arith.constant 80 : i32
        %mul3A_546 = arith.muli %add3A_544, %mul3A_545 : i32
        %add3A_547 = arith.addi %mul3A_2, %mul3A_546 : i32
        %dma_start3A_548 = arith.constant 3 : i32
        %dma_start3A_549 = arith.constant 3 : i32
        %dma_start3A_550 = arith.constant 0 : i32
        %dma_start3A_551 = tpu.memref_slice %arg5[%dma_start3A_548, %dma_start3A_550] : memref<4x80xi32, #tpu.memory_space<vmem>> -> memref<1x80xi32, #tpu.memory_space<vmem>>
        %dma_start3A_552 = tpu.memref_squeeze %dma_start3A_551 : memref<1x80xi32, #tpu.memory_space<vmem>> -> memref<80xi32, #tpu.memory_space<vmem>>
        %dma_start3A_553 = tpu.memref_slice %arg3[%add3A_547] : memref<320000xi32, #tpu.memory_space<hbm>> -> memref<80xi32, #tpu.memory_space<hbm>>
        %dma_start3A_554 = tpu.memref_slice %arg8[%dma_start3A_549] : memref<4x!tpu.dma_semaphore, #tpu.memory_space<semaphore_mem>> -> memref<1x!tpu.dma_semaphore, #tpu.memory_space<semaphore_mem>>
        %dma_start3A_555 = tpu.memref_squeeze %dma_start3A_554 : memref<1x!tpu.dma_semaphore, #tpu.memory_space<semaphore_mem>> -> memref<!tpu.dma_semaphore, #tpu.memory_space<semaphore_mem>>
        %dma_start3A_556 = arith.constant 0 : i32
        %dma_start3A_557 = tpu.memref_slice %arg5[%dma_start3A_548, %dma_start3A_556] : memref<4x80xi32, #tpu.memory_space<vmem>> -> memref<1x80xi32, #tpu.memory_space<vmem>>
        %dma_start3A_558 = tpu.memref_squeeze %dma_start3A_557 : memref<1x80xi32, #tpu.memory_space<vmem>> -> memref<80xi32, #tpu.memory_space<vmem>>
        %dma_start3A_559 = tpu.memref_slice %arg3[%add3A_547] : memref<320000xi32, #tpu.memory_space<hbm>> -> memref<80xi32, #tpu.memory_space<hbm>>
        tpu.enqueue_dma source(%dma_start3A_559 : memref<80xi32, #tpu.memory_space<hbm>>) target(%dma_start3A_558 : memref<80xi32, #tpu.memory_space<vmem>>) target_semaphore(%dma_start3A_555 : memref<!tpu.dma_semaphore, #tpu.memory_space<semaphore_mem>>)
      } else {
      }
    }
    %scan3A_136 = arith.constant 29 : i32
    %dma_wait3A_137 = arith.constant 0 : i32
    %dma_wait3A_138 = arith.constant 0 : i32
    %dma_wait3A_139 = arith.constant 0 : i32
    %dma_wait3A_140 = arith.constant 0 : i32
    %dma_wait3A_141 = arith.constant 0 : i32
    %dma_wait3A_142 = tpu.memref_slice %arg6[%dma_wait3A_138, %dma_wait3A_140, %dma_wait3A_141] : memref<4x80x128xf32, #tpu.memory_space<vmem>> -> memref<1x80x128xf32, #tpu.memory_space<vmem>>
    %dma_wait3A_143 = tpu.memref_squeeze %dma_wait3A_142 : memref<1x80x128xf32, #tpu.memory_space<vmem>> -> memref<80x128xf32, #tpu.memory_space<vmem>>
    %dma_wait3A_144 = arith.constant 0 : i32
    %dma_wait3A_145 = tpu.memref_slice %arg5[%dma_wait3A_137, %dma_wait3A_144] : memref<4x80xi32, #tpu.memory_space<vmem>> -> memref<1x80xi32, #tpu.memory_space<vmem>>
    %dma_wait3A_146 = tpu.memref_squeeze %dma_wait3A_145 : memref<1x80xi32, #tpu.memory_space<vmem>> -> memref<80xi32, #tpu.memory_space<vmem>>
    %dma_wait3A_147 = arith.constant 0 : i32
    %dma_wait3A_148 = arith.constant 0 : i32
    %dma_wait3A_149 = tpu.memref_slice %arg7[%dma_wait3A_147, %dma_wait3A_148] : memref<10000x128xf32, #tpu.memory_space<vmem_shared>> -> memref<10000x128xf32, #tpu.memory_space<vmem_shared>>
    %dma_wait3A_150 = tpu.memref_slice %arg9[%dma_wait3A_139] : memref<4x!tpu.dma_semaphore, #tpu.memory_space<semaphore_mem>> -> memref<1x!tpu.dma_semaphore, #tpu.memory_space<semaphore_mem>>
    %dma_wait3A_151 = tpu.memref_squeeze %dma_wait3A_150 : memref<1x!tpu.dma_semaphore, #tpu.memory_space<semaphore_mem>> -> memref<!tpu.dma_semaphore, #tpu.memory_space<semaphore_mem>>
    tpu.wait_indirect_dma semaphore(%dma_wait3A_151 : memref<!tpu.dma_semaphore, #tpu.memory_space<semaphore_mem>>) src(%dma_wait3A_149 : memref<10000x128xf32, #tpu.memory_space<vmem_shared>>) dst(%dma_wait3A_143 : memref<80x128xf32, #tpu.memory_space<vmem>>)
    %add3A_152 = arith.constant 9920 : i32
    %add3A_153 = arith.addi %mul3A_2, %add3A_152 : i32
    %dma_start3A_154 = arith.constant 0 : i32
    %dma_start3A_155 = arith.constant 0 : i32
    %dma_start3A_156 = arith.constant 0 : i32
    %dma_start3A_157 = arith.constant 0 : i32
    %dma_start3A_158 = tpu.memref_slice %arg6[%dma_start3A_154, %dma_start3A_156, %dma_start3A_157] : memref<4x80x128xf32, #tpu.memory_space<vmem>> -> memref<1x80x128xf32, #tpu.memory_space<vmem>>
    %dma_start3A_159 = tpu.memref_squeeze %dma_start3A_158 : memref<1x80x128xf32, #tpu.memory_space<vmem>> -> memref<80x128xf32, #tpu.memory_space<vmem>>
    %dma_start3A_160 = arith.constant 0 : i32
    %dma_start3A_161 = tpu.memref_slice %arg4[%add3A_153, %dma_start3A_160] : memref<320000x128xf32, #tpu.memory_space<hbm>> -> memref<80x128xf32, #tpu.memory_space<hbm>>
    %dma_start3A_162 = tpu.memref_slice %arg10[%dma_start3A_155] : memref<4x!tpu.dma_semaphore, #tpu.memory_space<semaphore_mem>> -> memref<1x!tpu.dma_semaphore, #tpu.memory_space<semaphore_mem>>
    %dma_start3A_163 = tpu.memref_squeeze %dma_start3A_162 : memref<1x!tpu.dma_semaphore, #tpu.memory_space<semaphore_mem>> -> memref<!tpu.dma_semaphore, #tpu.memory_space<semaphore_mem>>
    %dma_start3A_164 = arith.constant 0 : i32
    %dma_start3A_165 = tpu.memref_slice %arg4[%add3A_153, %dma_start3A_164] : memref<320000x128xf32, #tpu.memory_space<hbm>> -> memref<80x128xf32, #tpu.memory_space<hbm>>
    %dma_start3A_166 = arith.constant 0 : i32
    %dma_start3A_167 = arith.constant 0 : i32
    %dma_start3A_168 = tpu.memref_slice %arg6[%dma_start3A_154, %dma_start3A_166, %dma_start3A_167] : memref<4x80x128xf32, #tpu.memory_space<vmem>> -> memref<1x80x128xf32, #tpu.memory_space<vmem>>
    %dma_start3A_169 = tpu.memref_squeeze %dma_start3A_168 : memref<1x80x128xf32, #tpu.memory_space<vmem>> -> memref<80x128xf32, #tpu.memory_space<vmem>>
    tpu.enqueue_dma source(%dma_start3A_169 : memref<80x128xf32, #tpu.memory_space<vmem>>) target(%dma_start3A_165 : memref<80x128xf32, #tpu.memory_space<hbm>>) target_semaphore(%dma_start3A_163 : memref<!tpu.dma_semaphore, #tpu.memory_space<semaphore_mem>>)
    %dma_wait3A_170 = arith.constant 2 : i32
    %dma_wait3A_171 = arith.constant 2 : i32
    %dma_wait3A_172 = arith.constant 0 : i32
    %dma_wait3A_173 = arith.constant 0 : i32
    %dma_wait3A_174 = tpu.memref_slice %arg6[%dma_wait3A_170, %dma_wait3A_172, %dma_wait3A_173] : memref<4x80x128xf32, #tpu.memory_space<vmem>> -> memref<1x80x128xf32, #tpu.memory_space<vmem>>
    %dma_wait3A_175 = tpu.memref_squeeze %dma_wait3A_174 : memref<1x80x128xf32, #tpu.memory_space<vmem>> -> memref<80x128xf32, #tpu.memory_space<vmem>>
    %dma_wait3A_176 = arith.constant 0 : i32
    %dma_wait3A_177 = arith.constant 0 : i32
    %dma_wait3A_178 = tpu.memref_slice %arg4[%dma_wait3A_176, %dma_wait3A_177] : memref<320000x128xf32, #tpu.memory_space<hbm>> -> memref<80x128xf32, #tpu.memory_space<hbm>>
    %dma_wait3A_179 = tpu.memref_slice %arg10[%dma_wait3A_171] : memref<4x!tpu.dma_semaphore, #tpu.memory_space<semaphore_mem>> -> memref<1x!tpu.dma_semaphore, #tpu.memory_space<semaphore_mem>>
    %dma_wait3A_180 = tpu.memref_squeeze %dma_wait3A_179 : memref<1x!tpu.dma_semaphore, #tpu.memory_space<semaphore_mem>> -> memref<!tpu.dma_semaphore, #tpu.memory_space<semaphore_mem>>
    %dma_wait3A_181 = arith.constant 0 : i32
    %dma_wait3A_182 = arith.constant 0 : i32
    %dma_wait3A_183 = tpu.memref_slice %arg4[%dma_wait3A_181, %dma_wait3A_182] : memref<320000x128xf32, #tpu.memory_space<hbm>> -> memref<80x128xf32, #tpu.memory_space<hbm>>
    %dma_wait3A_184 = arith.constant 0 : i32
    %dma_wait3A_185 = arith.constant 0 : i32
    %dma_wait3A_186 = tpu.memref_slice %arg6[%dma_wait3A_170, %dma_wait3A_184, %dma_wait3A_185] : memref<4x80x128xf32, #tpu.memory_space<vmem>> -> memref<1x80x128xf32, #tpu.memory_space<vmem>>
    %dma_wait3A_187 = tpu.memref_squeeze %dma_wait3A_186 : memref<1x80x128xf32, #tpu.memory_space<vmem>> -> memref<80x128xf32, #tpu.memory_space<vmem>>
    tpu.wait_dma2 semaphore(%dma_wait3A_180 : memref<!tpu.dma_semaphore, #tpu.memory_space<semaphore_mem>>) src(%dma_wait3A_187 : memref<80x128xf32, #tpu.memory_space<vmem>>) dst(%dma_wait3A_183 : memref<80x128xf32, #tpu.memory_space<hbm>>)
    %dma_wait3A_188 = arith.constant 3 : i32
    %dma_wait3A_189 = arith.constant 3 : i32
    %dma_wait3A_190 = arith.constant 0 : i32
    %dma_wait3A_191 = arith.constant 0 : i32
    %dma_wait3A_192 = tpu.memref_slice %arg6[%dma_wait3A_188, %dma_wait3A_190, %dma_wait3A_191] : memref<4x80x128xf32, #tpu.memory_space<vmem>> -> memref<1x80x128xf32, #tpu.memory_space<vmem>>
    %dma_wait3A_193 = tpu.memref_squeeze %dma_wait3A_192 : memref<1x80x128xf32, #tpu.memory_space<vmem>> -> memref<80x128xf32, #tpu.memory_space<vmem>>
    %dma_wait3A_194 = arith.constant 0 : i32
    %dma_wait3A_195 = arith.constant 0 : i32
    %dma_wait3A_196 = tpu.memref_slice %arg4[%dma_wait3A_194, %dma_wait3A_195] : memref<320000x128xf32, #tpu.memory_space<hbm>> -> memref<80x128xf32, #tpu.memory_space<hbm>>
    %dma_wait3A_197 = tpu.memref_slice %arg10[%dma_wait3A_189] : memref<4x!tpu.dma_semaphore, #tpu.memory_space<semaphore_mem>> -> memref<1x!tpu.dma_semaphore, #tpu.memory_space<semaphore_mem>>
    %dma_wait3A_198 = tpu.memref_squeeze %dma_wait3A_197 : memref<1x!tpu.dma_semaphore, #tpu.memory_space<semaphore_mem>> -> memref<!tpu.dma_semaphore, #tpu.memory_space<semaphore_mem>>
    %dma_wait3A_199 = arith.constant 0 : i32
    %dma_wait3A_200 = arith.constant 0 : i32
    %dma_wait3A_201 = tpu.memref_slice %arg4[%dma_wait3A_199, %dma_wait3A_200] : memref<320000x128xf32, #tpu.memory_space<hbm>> -> memref<80x128xf32, #tpu.memory_space<hbm>>
    %dma_wait3A_202 = arith.constant 0 : i32
    %dma_wait3A_203 = arith.constant 0 : i32
    %dma_wait3A_204 = tpu.memref_slice %arg6[%dma_wait3A_188, %dma_wait3A_202, %dma_wait3A_203] : memref<4x80x128xf32, #tpu.memory_space<vmem>> -> memref<1x80x128xf32, #tpu.memory_space<vmem>>
    %dma_wait3A_205 = tpu.memref_squeeze %dma_wait3A_204 : memref<1x80x128xf32, #tpu.memory_space<vmem>> -> memref<80x128xf32, #tpu.memory_space<vmem>>
    tpu.wait_dma2 semaphore(%dma_wait3A_198 : memref<!tpu.dma_semaphore, #tpu.memory_space<semaphore_mem>>) src(%dma_wait3A_205 : memref<80x128xf32, #tpu.memory_space<vmem>>) dst(%dma_wait3A_201 : memref<80x128xf32, #tpu.memory_space<hbm>>)
    %dma_wait3A_206 = arith.constant 0 : i32
    %dma_wait3A_207 = arith.constant 0 : i32
    %dma_wait3A_208 = arith.constant 0 : i32
    %dma_wait3A_209 = arith.constant 0 : i32
    %dma_wait3A_210 = tpu.memref_slice %arg6[%dma_wait3A_206, %dma_wait3A_208, %dma_wait3A_209] : memref<4x80x128xf32, #tpu.memory_space<vmem>> -> memref<1x80x128xf32, #tpu.memory_space<vmem>>
    %dma_wait3A_211 = tpu.memref_squeeze %dma_wait3A_210 : memref<1x80x128xf32, #tpu.memory_space<vmem>> -> memref<80x128xf32, #tpu.memory_space<vmem>>
    %dma_wait3A_212 = arith.constant 0 : i32
    %dma_wait3A_213 = arith.constant 0 : i32
    %dma_wait3A_214 = tpu.memref_slice %arg4[%dma_wait3A_212, %dma_wait3A_213] : memref<320000x128xf32, #tpu.memory_space<hbm>> -> memref<80x128xf32, #tpu.memory_space<hbm>>
    %dma_wait3A_215 = tpu.memref_slice %arg10[%dma_wait3A_207] : memref<4x!tpu.dma_semaphore, #tpu.memory_space<semaphore_mem>> -> memref<1x!tpu.dma_semaphore, #tpu.memory_space<semaphore_mem>>
    %dma_wait3A_216 = tpu.memref_squeeze %dma_wait3A_215 : memref<1x!tpu.dma_semaphore, #tpu.memory_space<semaphore_mem>> -> memref<!tpu.dma_semaphore, #tpu.memory_space<semaphore_mem>>
    %dma_wait3A_217 = arith.constant 0 : i32
    %dma_wait3A_218 = arith.constant 0 : i32
    %dma_wait3A_219 = tpu.memref_slice %arg4[%dma_wait3A_217, %dma_wait3A_218] : memref<320000x128xf32, #tpu.memory_space<hbm>> -> memref<80x128xf32, #tpu.memory_space<hbm>>
    %dma_wait3A_220 = arith.constant 0 : i32
    %dma_wait3A_221 = arith.constant 0 : i32
    %dma_wait3A_222 = tpu.memref_slice %arg6[%dma_wait3A_206, %dma_wait3A_220, %dma_wait3A_221] : memref<4x80x128xf32, #tpu.memory_space<vmem>> -> memref<1x80x128xf32, #tpu.memory_space<vmem>>
    %dma_wait3A_223 = tpu.memref_squeeze %dma_wait3A_222 : memref<1x80x128xf32, #tpu.memory_space<vmem>> -> memref<80x128xf32, #tpu.memory_space<vmem>>
    tpu.wait_dma2 semaphore(%dma_wait3A_216 : memref<!tpu.dma_semaphore, #tpu.memory_space<semaphore_mem>>) src(%dma_wait3A_223 : memref<80x128xf32, #tpu.memory_space<vmem>>) dst(%dma_wait3A_219 : memref<80x128xf32, #tpu.memory_space<hbm>>)
    return
  }
}

</mosaic_0001>

<sc_bundles>
// kernel: kernel.3.cloned.1.call-start
scs
__scs_entry_jumppad:
0x0: {  	(pc) =	sbr.rel $0x88, $3  }
0x1: {  	(tag) =	ssettag $0x0;
	lr =	simm.s32 $0x1  }
0x2: {  	[smem:$0x3F9F] =	sst lr;
	_ =	strace $0xD0000000  }
0x3: {  	_ = 	snop  }
0x4: {  	_ = 	snop  }
0x5: {  	_ = 	snop  }
0x6: {  	_ = 	snop  }
0x7: {  	_ = 	snop  }
__scs_overlays_trampoline_lowered:
0x8: {  	[smem:$0x3FAE] =	sst s0  }
0x9: {  	[smem:$0x3FAF] =	sst s1  }
0xa: {  	[smem:$0x3FB0] =	sst s2  }
0xb: {  	[smem:$0x3FB1] =	sst s3  }
0xc: {  	[smem:$0x3FB2] =	sst s4  }
0xd: {  	[smem:$0x3FB3] =	sst s5  }
0xe: {  	[smem:$0x3FB4] =	sst s6  }
0xf: {  	[smem:$0x3FB5] =	sst s7  }
0x10: {  	[smem:$0x3FB6] =	sst s8  }
0x11: {  	[smem:$0x3FB7] =	sst s9;
	s0 =	simm.s32 @!p0 $0x0  }
0x12: {  	s1 =	sld [smem:$0x3F9D];
	s0 =	simm.s32 @p0 $0x1  }
0x13: {  	[smem:$0x3FB8] =	sst s0;
	s0 =	simm.s32 @!p1 $0x0  }
0x14: {  	s2 =	sld [smem:$0x3F9C];
	s0 =	simm.s32 @p1 $0x1  }
0x15: {  	[smem:$0x3FB9] =	sst s0;
	s0 =	simm.s32 @!p2 $0x0  }
0x16: {  	s3 =	sld [smem:$0x3FDB];
	s0 =	simm.s32 @p2 $0x1  }
0x17: {  	s4 =	simm.s32 $0x1BF5;
	[smem:$0x3FBB] =	sst s0  }
0x18: {  	s0 =	sld [smem:$0x3F9E];
	_ =	swait.ge [sflag:s4], $0x0  }
0x19: {  	s7 =	sld [smem:$0x3F9F]  }
0x1a: {  	s8 =	sadd.s32 $0xFFFFE003, lr  }
0x1b: {  	s9 =	sadd.s32 $0xFFFFFEF7, lr;
	s5 =	simm.s32 $0xFFFFFFFF;
	p2 =	slt.u32 s8, $0xFFFFF086  }
0x1c: {  	p1 =	slt.u32 s9, $0xF7A;
	s5 =	simm.s32 @!p2 $0x0  }
0x1d: {  	s5 =	simm.s32 @p1 $0x1;
	p0 =	seq.s32 s7, s2  }
0x1e: {  	s7 =	smul.u32 @!p0 $0xF7A, s2;
	p2 =	seq.s32 @!p0 s5, $0x0  }
0x1f: {  	s9 =	smul.u32 $0xF7A, s1;
	s8 =	simm.s32 @!p0 $0x1BF5;
	p2 =	por !p2, p0  }
0x20: {  	[sflag:s8] =	ssyncset.s32 @!p0 $0xFFFFF086;
	s6 =	sadd.s32 @!p0 s3, s7;
	s7 =	simm.s32 @!p0 $0x108  }
0x21: {  	s3 =	sadd.s32 s3, s9;
	s6 =	sadd.s32 @!p0 $0x88, s6;
	s7 =	simm.s32 @p2 $0x1082  }
0x22: {  	[simem:s7], [sflag:s8] =	dma.local @!p0 [hbm:s6], $0xF7A  }
0x23: {  	s9 =	sor.u32 $0xD0000000, s2;
	s6 =	simm.s32 $0x108;
	_ =	swait.ge @!p0 [sflag:s8], $0x0  }
0x24: {  	s3 =	sadd.s32 $0x88, s3;
	s6 =	simm.s32 @!p1 $0x1082;
	[sflag:s4] =	ssyncset.s32 $0xFFFFF086  }
0x25: {  	[simem:s6], [sflag:s4] =	dma.local [hbm:s3], $0xF7A  }
0x26: {  	[smem:$0x3F9F] =	sst s1;
	(tag) =	ssettag s2;
	_ =	strace s9  }
0x27: {  	s1 =	sld [smem:$0x3FAF]  }
0x28: {  	s2 =	sld [smem:$0x3FB0]  }
0x29: {  	s4 =	sld [smem:$0x3FB2]  }
0x2a: {  	p0 =	seq.s32 s5, $0x0;
	s5 =	sld [smem:$0x3FB3]  }
0x2b: {  	s6 =	sld [smem:$0x3FB4]  }
0x2c: {  	s7 =	sld [smem:$0x3FB5]  }
0x2d: {  	s3 =	simm.s32 $0x108;
	s8 =	sld [smem:$0x3FB6]  }
0x2e: {  	s3 =	simm.s32 @!p0 $0x1082;
	s9 =	sld [smem:$0x3FB7]  }
0x2f: {  	lr =	sadd.s32 s0, s3;
	s0 =	sld [smem:$0x3FAE]  }
0x30: {  	s3 =	sld [smem:$0x3FB1]  }
0x31: {  	[smem:$0x3FBA] =	sst s10  }
0x32: {  	s10 =	sld [smem:$0x3FB8];
	_ =	sdelay $0x3  }
0x33: {  	p0 =	seq.s32 s10, $0x1;
	s10 =	sld [smem:$0x3FBA];
	_ =	sdelay $0x3  }
0x34: {  	[smem:$0x3FBA] =	sst s10  }
0x35: {  	s10 =	sld [smem:$0x3FB9];
	_ =	sdelay $0x3  }
0x36: {  	p1 =	seq.s32 s10, $0x1;
	s10 =	sld [smem:$0x3FBA];
	_ =	sdelay $0x3  }
0x37: {  	[smem:$0x3FBA] =	sst s10  }
0x38: {  	s10 =	sld [smem:$0x3FBB]  }
0x39: {  	_ = 	snop;
	(pc) =	sbr.ind lr, $3  }
0x3a: {  	_ = 	snop  }
0x3b: {  	_ = 	snop  }
0x3c: {  	p2 =	seq.s32 s10, $0x1;
	s10 =	sld [smem:$0x3FBA]  }
0x3d: {  	_ =	shalt  }
0x3e: {  	_ =	shalt  }
0x3f: {  	_ =	shalt  }
0x40: {  	_ =	shalt  }
0x41: {  	_ =	shalt  }
0x42: {  	_ =	shalt  }
0x43: {  	_ =	shalt  }
0x44: {  	_ =	shalt  }
0x45: {  	_ =	shalt  }
0x46: {  	_ =	shalt  }
0x47: {  	_ =	shalt  }
0x48: {  	_ =	shalt  }
0x49: {  	_ =	shalt  }
0x4a: {  	_ =	shalt  }
0x4b: {  	_ =	shalt  }
0x4c: {  	_ =	shalt  }
0x4d: {  	_ =	shalt  }
0x4e: {  	_ =	shalt  }
0x4f: {  	_ =	shalt  }
0x50: {  	_ =	shalt  }
0x51: {  	_ =	shalt  }
0x52: {  	_ =	shalt  }
0x53: {  	_ =	shalt  }
0x54: {  	_ =	shalt  }
0x55: {  	_ =	shalt  }
0x56: {  	_ =	shalt  }
0x57: {  	_ =	shalt  }
0x58: {  	_ =	shalt  }
0x59: {  	_ =	shalt  }
0x5a: {  	_ =	shalt  }
0x5b: {  	_ =	shalt  }
0x5c: {  	_ =	shalt  }
0x5d: {  	_ =	shalt  }
0x5e: {  	_ =	shalt  }
0x5f: {  	_ =	shalt  }
0x60: {  	_ =	shalt  }
0x61: {  	_ =	shalt  }
0x62: {  	_ =	shalt  }
0x63: {  	_ =	shalt  }
0x64: {  	_ =	shalt  }
0x65: {  	_ =	shalt  }
0x66: {  	_ =	shalt  }
0x67: {  	_ =	shalt  }
0x68: {  	_ =	shalt  }
0x69: {  	_ =	shalt  }
0x6a: {  	_ =	shalt  }
0x6b: {  	_ =	shalt  }
0x6c: {  	_ =	shalt  }
0x6d: {  	_ =	shalt  }
0x6e: {  	_ =	shalt  }
0x6f: {  	_ =	shalt  }
0x70: {  	_ =	shalt  }
0x71: {  	_ =	shalt  }
0x72: {  	_ =	shalt  }
0x73: {  	_ =	shalt  }
0x74: {  	_ =	shalt  }
0x75: {  	_ =	shalt  }
0x76: {  	_ =	shalt  }
0x77: {  	_ =	shalt  }
0x78: {  	_ =	shalt  }
0x79: {  	_ =	shalt  }
0x7a: {  	_ =	shalt  }
0x7b: {  	_ =	shalt  }
0x7c: {  	_ =	shalt  }
0x7d: {  	_ =	shalt  }
0x7e: {  	_ =	shalt  }
0x7f: {  	_ =	shalt  }
0x80: {  	_ =	shalt  }
0x81: {  	_ =	shalt  }
0x82: {  	_ =	shalt  }
0x83: {  	_ =	shalt  }
0x84: {  	_ =	shalt  }
0x85: {  	_ =	shalt  }
0x86: {  	_ =	shalt  }
0x87: {  	_ =	shalt  }
.Lfunc_end0:
.L_simem_size_0:
called_computation_lowered:
.L_overlay_start_0:
0x88: {  	s2 =	sld [smem:$0x3FD9]  }
0x89: {  	s3 =	sld [smem:$0x3FFE];
	_ =	sdelay $0x1  }
0x8a: {  	s1 =	srdreg.scid  }
0x8b: {  	s0 =	sand.u32 $0x1, s1  }
0x8c: {  	s18 =	sshll.u32 s0, $0xA;
	s2 =	sadd.s32 s3, s2  }
0x8d: {  	s2 =	sadd.s32 s2, s18  }
0x8e: {  	[smem:$0x3FC6] =	sst s2  }
0x8f: {  	_ = 	snop  }
0x90: {  	s2 =	sld [smem:$0x3FC9]  }
0x91: {  	s19 =	sld [smem:$0x3FC8]  }
0x92: {  	s4 =	sld [smem:$0x3FD0];
	(tm) =	ssettm $0x1  }
0x93: {  	s5 =	sld [smem:$0x3FFB];
	_ =	sdelay $0x3  }
0x94: {  	_ =	strace s5  }
0x95: {  	s5 =	sld [smem:$0x3FFC];
	_ =	sdelay $0x3  }
0x96: {  	_ =	strace s5  }
0x97: {  	s5 =	sld [smem:$0x3FFD];
	_ =	sdelay $0x3  }
0x98: {  	_ =	strace s5  }
0x99: {  	_ =	strace $0x8FFFFFFF  }
0x9a: {  	s20 =	sld [smem:$0x3FDB];
	_ =	sdelay $0x1  }
0x9b: {  	s6 =	simm.s32 $_scs_section_size  }
0x9c: {  	s7 =	simm.s32 $_size__tile_overlayer_lowered;
	s8 =	simm.s32 $_tile_overlayer_lowered  }
0x9d: {  	s23 =	simm.s32 $0x1BFF;
	s22 =	sshll.u32 s8, $0x1;
	s5 =	sadd.s32 s6, s20  }
0x9e: {  	s9 =	simm.s32 $0x0;
	s21 =	sshll.u32 s7, $0x1;
	s7 =	sadd.s32 s22, s5  }
0x9f: {  	[timem:s9], [sflag:s23] =	dma.local [hbm:s7], s21  }
0xa0: {  	_ =	swait.ge [sflag:s23], s21  }
0xa1: {  	s6 =	ssub.s32 $0x0, s21;
	[sflag:s23] =	ssyncset.done $0x0  }
0xa2: {  	[sflag:s23] =	ssyncadd.s32 s6;
	_ =	sdelay $0x1  }
0xa3: {  	s24 =	simm.s32 $0x1B8B  }
0xa4: {  	_ =	swait.ge [sflag:s24], $0x1  }
0xa5: {  	[sflag:s24] =	ssyncset.done $0x0  }
0xa6: {  	s25 =	simm.s32 $0x1B8E;
	[sflag:s24] =	ssyncadd.s32 $0xFFFFFFFF  }
0xa7: {  	s26 =	simm.s32 $execute0_lowered;
	[smem:$0x3FD2] =	sst s25  }
0xa8: {  	s6 =	sshll.u32 s26, $0x1;
	_ =	strace $0x80000046;
	[dreg:$0x1] =	wrdreg $0xFFFFFFFF  }
0xa9: {  	s28 =	simm.s32 $_size_execute0_lowered;
	s5 =	sadd.s32 s5, s6;
	[dreg:$0x0] =	wrdreg $0x0  }
0xaa: {  	s6 =	sshll.u32 s28, $0x1;
	[dreg:$0x2] =	wrdreg s5  }
0xab: {  	[dreg:$0x3] =	wrdreg s6  }
0xac: {  	[dreg:$0x4] =	wrdreg $0xC0  }
0xad: {  	_ =	task [dreg:s9], $0x5FFFF  }
0xae: {  	[dreg:$0x1] =	wrdreg $0xFFFFFFFF  }
0xaf: {  	[dreg:$0x0] =	wrdreg $0x60  }
0xb0: {  	[dreg:$0x2] =	wrdreg s2  }
0xb1: {  	[dreg:$0x3] =	wrdreg s19  }
0xb2: {  	[dreg:$0x4] =	wrdreg s4  }
0xb3: {  	[dreg:$0x5] =	wrdreg $0xA2000  }
0xb4: {  	[dreg:$0x6] =	wrdreg $0x9  }
0xb5: {  	_ =	task.clear_ibuf [dreg:s9], $0x7FFFF;
	_ =	strace $0x90000046  }
0xb6: {  	s29 =	simm.s32 $0x9;
	_ =	strace $0x80000048  }
0xb7: {  	_ =	swait.ge [sflag:s29], $0x1  }
0xb8: {  	[sflag:s29] =	ssyncadd.s32 $0xFFFFFFFF  }
0xb9: {  	_ =	strace $0x90000048  }
0xba: {  	_ =	sfence  }
0xbb: {  	s30 =	sld [smem:$0x0];
	_ =	sdelay $0x2  }
0xbc: {  	s31 =	sshll.u32 s1, $0xD;
	s1 =	sshrl.u32 s1, $0x2  }
0xbd: {  	s3 =	sand.u32 $0x4000, s31;
	s1 =	sadd.s32 s1, s30  }
0xbe: {  	s0 =	sor.u32 s3, s0;
	s1 =	sshll.u32 s1, $0x11  }
0xbf: {  	s0 =	sor.u32 s1, s0  }
0xc0: {  	s0 =	sadd.s32 $0x8F2B, s0  }
0xc1: {  	[sflag:s0] =	ssyncadd.remote.s32 $0x1  }
0xc2: {  	_ =	sfence.sel $0xFFFF  }
0xc3: {  	[dreg:$0x0] =	wrdreg $0xFFFFFFFF;
	(pc) =	sbr.abs _section_cstart, $3  }
0xc4: {  	[dreg:$0x1] =	wrdreg $0xFFFFFFFF  }
0xc5: {  	_ =	task.clear_ibuf [dreg:s9], $0x2FFFF;
	_ =	strace $0x9FFFFFFF  }
0xc6: {  	(tm) =	ssettm $0x7FFFFFFF  }
0xc7: {  	_ =	shalt  }
tec
execute0_lowered:
.L_overlay_start_1:
0x0: {  	(tag) =	ssettag $0x1  }
0x1: {  	s26 =	rddreg [dreg:$0x0]  }
0x2: {  	s2 =	rddreg [dreg:$0x1]  }
0x3: {  	s0 =	srdreg.scid;
	s4 =	rddreg [dreg:$0x2]  }
0x4: {  	s13 =	stileid.u32;
	s1 =	rddreg [dreg:$0x3]  }
0x5: {  	s6 =	simm.s32 $0x0;
	s31 =	simm.s32 $0x7A00;
	s0 =	sand.u32 $0x1, s0  }
0x6: {  	s3 =	sshll.u32 s13, $0x1;
	[smem:$0x7FF] =	sst s6;
	s30 =	smul.u32 $0x4E20, s13  }
0x7: {  	p0 =	seq.s32 s13, $0xF;
	s11 =	sshll.u32 s13, $0x6;
	s12 =	smul.u32 $0x2710, s0  }
0x8: {  	s3 =	sor.u32 s0, s3;
	s7 =	ssub.s32 $0x2, s0;
	s0 =	smul.u32 $0x27100, s0  }
0x9: {  	_ =	strace $0x80000047;
	s14 =	smul.u32 $0x2710, s3;
	s8 =	sshrl.u32 s7, $0x1  }
0xa: {  	s3 =	smul.u32 $0x138800, s3;
	s7 =	ssub.s32 s7, s8;
	s12 =	sadd.s32 s12, s30  }
0xb: {  	s9 =	sshrl.u32 s14, $0x3;
	s17 =	sadd.s32 $0x50, s14;
	s20 =	sadd.s32 $0xA0, s14  }
0xc: {  	s5 =	sadd.s32 $0xF0, s14;
	s3 =	sshrl.u32 s3, $0x3;
	s15 =	sadd.s32 $0x4B0, s12  }
0xd: {  	s7 =	smax.u32 s7, $0x1;
	s18 =	sadd.s32 $0x460, s12;
	s19 =	sadd.s32 $0x410, s12  }
0xe: {  	s21 =	sadd.s32 $0x3C0, s12;
	[dreg:$0x5] =	wrdreg s14;
	s23 =	sadd.s32 s2, s9  }
0xf: {  	s24 =	sshrl.u32 s17, $0x3;
	s9 =	smul.u32 $0x280, s13;
	[dreg:$0x11] =	wrdreg s7  }
0x10: {  	s25 =	sshrl.u32 s20, $0x3;
	s28 =	sshrl.u32 s5, $0x3;
	[dreg:$0x7] =	wrdreg s17  }
0x11: {  	s13 =	smul.u32 $0x4E200, s13;
	s3 =	sadd.s32 s4, s3;
	[dreg:$0x8] =	wrdreg s20  }
0x12: {  	s16 =	sshrl.u32 s15, $0x3;
	s15 =	simm.s32 $0x3;
	[dreg:$0xb] =	wrdreg s5  }
0x13: {  	s7 =	simm.s32 $0x9;
	[dreg:$0x6] =	wrdreg s23;
	s8 =	sadd.s32 s2, s24  }
0x14: {  	s3 =	sadd.s32 $0x26C00, s3;
	s30 =	sadd.s32 s16, s2;
	s23 =	sshrl.u32 s21, $0x3  }
0x15: {  	s21 =	simm.s32 $0x5200;
	[dreg:$0x9] =	wrdreg s8;
	s8 =	sadd.s32 s2, s25  }
0x16: {  	s9 =	simm.s32 @p0 $0x2490;
	[dreg:$0x10] =	wrdreg s3;
	s3 =	sshrl.u32 s19, $0x3  }
0x17: {  	s25 =	sadd.s32 $0x190, s14;
	s19 =	simm.s32 $0x4;
	[dreg:$0x12] =	wrdreg s30  }
0x18: {  	[dreg:$0xa] =	wrdreg s8;
	s10 =	sshll.u32 s9, $0x7;
	s8 =	sadd.s32 s2, s28  }
0x19: {  	s9 =	sshll.u32 s9, $0x4;
	s22 =	sadd.s32 s3, s2;
	[dreg:$0x18] =	wrdreg s25  }
0x1a: {  	s28 =	sadd.s32 $0x1E0, s14;
	s3 =	simm.s32 $0x180;
	[dreg:$0xc] =	wrdreg s8  }
0x1b: {  	s25 =	simm.s32 $0x6;
	s29 =	sadd.s32 s10, s1;
	[dreg:$0x15] =	wrdreg s22  }
0x1c: {  	s9 =	sadd.s32 s26, s9;
	s1 =	sor.u32 $0x1C0D, s11;
	[dreg:$0x19] =	wrdreg s28  }
0x1d: {  	s11 =	sadd.s32 $0x140, s14;
	s10 =	sadd.s32 s13, s4;
	[dreg:$0xd] =	wrdreg s9  }
0x1e: {  	s8 =	simm.s32 $0x50;
	s13 =	simm.s32 $0x8;
	[dreg:$0xe] =	wrdreg s1  }
0x1f: {  	[dreg:$0xf] =	wrdreg s11;
	s0 =	sadd.s32 s0, s10;
	s24 =	sshrl.u32 s29, $0x3  }
0x20: {  	s29 =	sadd.s32 $0x230, s14;
	s11 =	simm.s32 $0x200;
	[dreg:$0x17] =	wrdreg s24  }
.Ltmp0:
0x21: {  	s0 =	sadd.s32 $0x3700, s0;
	[dreg:$0x1a] =	wrdreg s29;
	(pc) =	sbr.rel .LBB2_1-.Ltmp0, $4  }
0x22: {  	s9 =	simm.s32 $0x7;
	[dreg:$0x13] =	wrdreg s0;
	s0 =	sshrl.u32 s18, $0x3  }
0x23: {  	s24 =	simm.s32 $0x80;
	s18 =	simm.s32 $0x5;
	s0 =	sadd.s32 s0, s2  }
0x24: {  	[dreg:$0x14] =	wrdreg s0;
	s0 =	sadd.s32 s23, s2;
	s2 =	simm.s32 $0x2  }
0x25: {  	s23 =	simm.s32 $0x0;
	[dreg:$0x16] =	wrdreg s0;
	s0 =	simm.s32 $0x1  }
.LBB2_6:
0x26: {  	_ =	swait.ge [sflag:s18], $0x2800  }
0x27: {  	[sflag:s18] =	ssyncset.done $0x0  }
0x28: {  	s22 =	rddreg [dreg:$0x10];
	[sflag:s18] =	ssyncadd.s32 $0xFFFFD800  }
0x29: {  	[hbm4b:s22+s6] =	stream.linear.scatter [tilespmem:s11], [sflag:$0x9], $0x2800, $0x38;
	[tilespmem:$0x1DA80] =	vst v63  }
0x2a: {  	_ =	swait.ge [sflag:s10], $0x2800  }
0x2b: {  	[sflag:s10] =	ssyncset.done $0x0  }
0x2c: {  	[sflag:s10] =	ssyncadd.s32 $0xFFFFD800  }
0x2d: {  	_ =	swait.ge [sflag:s12], $0x2800  }
0x2e: {  	[sflag:s12] =	ssyncset.done $0x0  }
0x2f: {  	[sflag:s12] =	ssyncadd.s32 $0xFFFFD800  }
0x30: {  	_ =	swait.ge [sflag:s7], $0x2800  }
0x31: {  	s23 =	rddreg [dreg:$0x1b]  }
0x32: {  	s30 =	rddreg [dreg:$0x11];
	s23 =	sadd.s32 $0x1, s23  }
0x33: {  	p0 =	sne.s32 s23, s30  }
.Ltmp1:
0x34: {  	_ = 	snop;
	(pc) =	sbr.rel @!p0 .LBB2_7-.Ltmp1, $4  }
0x35: {  	_ = 	snop  }
0x36: {  	s24 =	simm.s32 $0x80;
	s17 =	rddreg [dreg:$0x7]  }
0x37: {  	s2 =	simm.s32 $0x2;
	[sflag:s7] =	ssyncset.done $0x0;
	s20 =	rddreg [dreg:$0x8]  }
0x38: {  	s26 =	smov.u32 s1;
	s5 =	rddreg [dreg:$0xb];
	[sflag:s7] =	ssyncadd.s32 $0xFFFFD800  }
.LBB2_1:
0x39: {  	[dreg:$0x1b] =	wrdreg s23  }
0x3a: {  	s22 =	rddreg [dreg:$0x6]  }
0x3b: {  	s23 =	rddreg [dreg:$0x9]  }
0x3c: {  	s1 =	rddreg [dreg:$0xa]  }
0x3d: {  	s10 =	rddreg [dreg:$0xc]  }
0x3e: {  	[tilespmem:s6], [sflag:$0x1] =	stream.linear.gather [hbm4b:s22+s6], $0x50, $0x38;
	[tilespmem:$0x1DA80] =	vst v63  }
0x3f: {  	s12 =	rddreg [dreg:$0xd]  }
0x40: {  	[tilespmem:s24], [sflag:$0x2] =	stream.linear.gather [hbm4b:s23+s6], $0x50, $0x38;
	[tilespmem:$0x1DA80] =	vst v63  }
0x41: {  	s14 =	simm.s32 $0x100;
	s16 =	rddreg [dreg:$0xe]  }
0x42: {  	[tilespmem:s14], [sflag:$0x3] =	stream.linear.gather [hbm4b:s1+s6], $0x50, $0x38;
	[tilespmem:$0x1DA80] =	vst v63  }
0x43: {  	s30 =	rddreg [dreg:$0x17]  }
0x44: {  	[tilespmem:s3], [sflag:$0x4] =	stream.linear.gather [hbm4b:s10+s6], $0x50, $0x38;
	[tilespmem:$0x1DA80] =	vst v63  }
0x45: {  	[spmem:s30], [sflag:s16] =	dma.local [hbm:s12], $0x2800  }
0x46: {  	_ =	swait.ge [sflag:s0], $0x50  }
0x47: {  	[sflag:s0] =	ssyncset.done $0x0  }
0x48: {  	p0 =	por $0x1, $0x1;
	[sflag:s0] =	ssyncadd.s32 $0xFFFFFFB0  }
0x49: {  	[tilespmem:s11], [sflag:$0x5] =	stream.indirect.gather [hbm4b:s26+s8], $0x80, s6, s8, $0xb8;
	[tilespmem:$0x1DA80] =	vst v63  }
0x4a: {  	p1 =	por $0x0, $0x0;
	s29 =	simm.s32 $0x80;
	_ =	swait.ge [sflag:s2], $0x50  }
0x4b: {  	s22 =	simm.s32 $0x0;
	[sflag:s2] =	ssyncset.done $0x0;
	s30 =	rddreg [dreg:$0xf]  }
0x4c: {  	s28 =	rddreg [dreg:$0x1a];
	[sflag:s2] =	ssyncadd.s32 $0xFFFFFFB0;
	s2 =	simm.s32 $0x2A00  }
0x4d: {  	[tilespmem:s2], [sflag:$0x6] =	stream.indirect.gather [hbm4b:s26+s8], $0x80, s24, s8, $0xb8;
	[tilespmem:$0x1DA80] =	vst v63  }
0x4e: {  	s1 =	smov.u32 s26;
	s3 =	smov.u32 s5;
	s24 =	rddreg [dreg:$0x18]  }
0x4f: {  	s5 =	simm.s32 $0xA;
	s10 =	simm.s32 $0x2;
	s26 =	rddreg [dreg:$0x19]  }
0x50: {  	s16 =	simm.s32 $0x200;
	s11 =	simm.s32 $0x180;
	s12 =	rddreg [dreg:$0x1]  }
.LBB2_2:
0x51: {  	s23 =	simm.s32 @p1 $0xB  }
0x52: {  	_ =	swait.ge @p1 [sflag:s23], $0x2800  }
0x53: {  	[sflag:s23] =	ssyncset.done @p1 $0x0  }
0x54: {  	[sflag:s23] =	ssyncadd.s32 @p1 $0xFFFFD800  }
0x55: {  	_ =	swait.ge [sflag:s15], $0x50  }
0x56: {  	[sflag:s15] =	ssyncset.done $0x0  }
0x57: {  	[sflag:s15] =	ssyncadd.s32 $0xFFFFFFB0  }
0x58: {  	[tilespmem:s21], [sflag:$0x7] =	stream.indirect.gather [hbm4b:s1+s8], $0x80, s14, s8, $0xb8;
	[tilespmem:$0x1DA80] =	vst v63  }
0x59: {  	_ =	swait.ge [sflag:s18], $0x2800  }
0x5a: {  	s23 =	rddreg [dreg:$0x5]  }
0x5b: {  	s23 =	sadd.s32 s23, s22  }
0x5c: {  	[sflag:s18] =	ssyncset.done $0x0;
	s23 =	sshll.u32 s23, $0x4  }
0x5d: {  	[sflag:s18] =	ssyncadd.s32 $0xFFFFD800;
	s23 =	sadd.s32 s4, s23  }
0x5e: {  	[hbm4b:s23+s6] =	stream.linear.scatter [tilespmem:s16], [sflag:$0x9], $0x2800, $0x38;
	[tilespmem:$0x1DA80] =	vst v63  }
0x5f: {  	s23 =	sadd.s32 s22, s30  }
0x60: {  	s23 =	sshrl.u32 s23, $0x3  }
0x61: {  	s23 =	sadd.s32 s12, s23  }
0x62: {  	[tilespmem:s6], [sflag:$0x1] =	stream.linear.gather [hbm4b:s23+s6], $0x50, $0x38;
	[tilespmem:$0x1DA80] =	vst v63  }
0x63: {  	s23 =	simm.s32 @p1 $0xC  }
0x64: {  	_ =	swait.ge @p1 [sflag:s23], $0x2800  }
0x65: {  	[sflag:s23] =	ssyncset.done @p1 $0x0  }
0x66: {  	[sflag:s23] =	ssyncadd.s32 @p1 $0xFFFFD800  }
0x67: {  	_ =	swait.ge [sflag:s19], $0x50  }
0x68: {  	[sflag:s19] =	ssyncset.done $0x0  }
0x69: {  	[sflag:s19] =	ssyncadd.s32 $0xFFFFFFB0  }
0x6a: {  	[tilespmem:s31], [sflag:$0x8] =	stream.indirect.gather [hbm4b:s1+s8], $0x80, s11, s8, $0xb8;
	[tilespmem:$0x1DA80] =	vst v63  }
0x6b: {  	s23 =	sadd.s32 s22, s17;
	_ =	swait.ge [sflag:s25], $0x2800  }
0x6c: {  	s23 =	sshll.u32 s23, $0x4;
	[sflag:s25] =	ssyncset.done $0x0  }
0x6d: {  	s23 =	sadd.s32 s4, s23;
	[sflag:s25] =	ssyncadd.s32 $0xFFFFD800  }
0x6e: {  	[hbm4b:s23+s6] =	stream.linear.scatter [tilespmem:s2], [sflag:$0xA], $0x2800, $0x38;
	[tilespmem:$0x1DA80] =	vst v63  }
0x6f: {  	s23 =	sadd.s32 s22, s24  }
0x70: {  	s23 =	sshrl.u32 s23, $0x3  }
0x71: {  	s23 =	sadd.s32 s12, s23  }
0x72: {  	[tilespmem:s29], [sflag:$0x2] =	stream.linear.gather [hbm4b:s23+s6], $0x50, $0x38;
	[tilespmem:$0x1DA80] =	vst v63  }
0x73: {  	_ =	swait.ge [sflag:s7], $0x2800  }
0x74: {  	[sflag:s7] =	ssyncset.done $0x0  }
0x75: {  	[sflag:s7] =	ssyncadd.s32 $0xFFFFD800  }
0x76: {  	_ =	swait.ge [sflag:s0], $0x50  }
0x77: {  	[sflag:s0] =	ssyncset.done $0x0  }
0x78: {  	[sflag:s0] =	ssyncadd.s32 $0xFFFFFFB0  }
0x79: {  	[tilespmem:s16], [sflag:$0x5] =	stream.indirect.gather [hbm4b:s1+s8], $0x80, s6, s8, $0xb8;
	[tilespmem:$0x1DA80] =	vst v63  }
0x7a: {  	s23 =	sadd.s32 s22, s20;
	_ =	swait.ge [sflag:s9], $0x2800  }
0x7b: {  	s23 =	sshll.u32 s23, $0x4;
	[sflag:s9] =	ssyncset.done $0x0  }
0x7c: {  	s23 =	sadd.s32 s4, s23;
	[sflag:s9] =	ssyncadd.s32 $0xFFFFD800  }
0x7d: {  	[hbm4b:s23+s6] =	stream.linear.scatter [tilespmem:s21], [sflag:$0xB], $0x2800, $0x38;
	[tilespmem:$0x1DA80] =	vst v63  }
0x7e: {  	s23 =	sadd.s32 s22, s26  }
0x7f: {  	s23 =	sshrl.u32 s23, $0x3  }
0x80: {  	s23 =	sadd.s32 s12, s23  }
0x81: {  	[tilespmem:s14], [sflag:$0x3] =	stream.linear.gather [hbm4b:s23+s6], $0x50, $0x38;
	[tilespmem:$0x1DA80] =	vst v63  }
0x82: {  	_ =	swait.ge [sflag:s5], $0x2800  }
0x83: {  	[sflag:s5] =	ssyncset.done $0x0  }
0x84: {  	[sflag:s5] =	ssyncadd.s32 $0xFFFFD800  }
0x85: {  	_ =	swait.ge [sflag:s10], $0x50  }
0x86: {  	[sflag:s10] =	ssyncset.done $0x0  }
0x87: {  	[sflag:s10] =	ssyncadd.s32 $0xFFFFFFB0  }
0x88: {  	[tilespmem:s2], [sflag:$0x6] =	stream.indirect.gather [hbm4b:s1+s8], $0x80, s29, s8, $0xb8;
	[tilespmem:$0x1DA80] =	vst v63  }
0x89: {  	s23 =	sadd.s32 s22, s3;
	_ =	swait.ge [sflag:s13], $0x2800  }
0x8a: {  	s23 =	sshll.u32 s23, $0x4;
	[sflag:s13] =	ssyncset.done $0x0  }
0x8b: {  	p2 =	por p0, p0;
	s23 =	sadd.s32 s4, s23;
	[sflag:s13] =	ssyncadd.s32 $0xFFFFD800  }
0x8c: {  	[hbm4b:s23+s6] =	stream.linear.scatter [tilespmem:s31], [sflag:$0xC], $0x2800, $0x38;
	[tilespmem:$0x1DA80] =	vst v63  }
.Ltmp2:
0x8d: {  	s23 =	sadd.s32 s22, s28;
	(pc) =	sbr.rel @p2 .LBB2_2-.Ltmp2, $4  }
0x8e: {  	s22 =	sshrl.u32 s23, $0x3  }
0x8f: {  	s22 =	sadd.s32 s12, s22  }
0x90: {  	[tilespmem:s11], [sflag:$0x4] =	stream.linear.gather [hbm4b:s22+s6], $0x50, $0x38;
	[tilespmem:$0x1DA80] =	vst v63  }
0x91: {  	p0 =	por $0x0, $0x0;
	p1 =	por $0x1, $0x1;
	s22 =	simm.s32 $0x140  }
0x92: {  	s22 =	simm.s32 $0xD  }
0x93: {  	_ =	swait.ge [sflag:s22], $0x2800  }
0x94: {  	[sflag:s22] =	ssyncset.done $0x0  }
0x95: {  	[sflag:s22] =	ssyncadd.s32 $0xFFFFD800  }
0x96: {  	s14 =	simm.s32 $0x100;
	s2 =	simm.s32 $0x2A00;
	[bflag:$0x0] =	sbarrier.arrive $0xFFFF  }
0x97: {  	s10 =	simm.s32 $0xB;
	s12 =	simm.s32 $0xC;
	s23 =	rddreg [dreg:$0x13]  }
0x98: {  	s3 =	simm.s32 $0x180;
	s11 =	simm.s32 $0x200;
	s30 =	rddreg [dreg:$0x12]  }
0x99: {  	s16 =	simm.s32 $0x5200;
	s22 =	simm.s32 $0x0;
	s5 =	rddreg [dreg:$0x3]  }
.LBB2_4:
0x9a: {  	_ =	swait.ge [sflag:s10], $0x2800  }
0x9b: {  	[sflag:s10] =	ssyncset.done $0x0  }
0x9c: {  	[sflag:s10] =	ssyncadd.s32 $0xFFFFD800  }
0x9d: {  	_ =	swait.ge [sflag:s15], $0x50  }
0x9e: {  	[sflag:s15] =	ssyncset.done $0x0  }
0x9f: {  	[sflag:s15] =	ssyncadd.s32 $0xFFFFFFB0  }
0xa0: {  	[tilespmem:s16], [sflag:$0x7] =	stream.indirect.gather [spmem:s5], $0x80, s14, s8, $0xb8;
	[tilespmem:$0x1DA80] =	vst v63  }
0xa1: {  	_ =	swait.ge [sflag:s18], $0x2800  }
0xa2: {  	[sflag:s18] =	ssyncset.done $0x0  }
0xa3: {  	s24 =	sadd.s32 $0xFFFFF100, s23;
	s26 =	rddreg [dreg:$0x16];
	[sflag:s18] =	ssyncadd.s32 $0xFFFFD800  }
0xa4: {  	[hbm4b:s24+s6] =	stream.linear.scatter [tilespmem:s11], [sflag:$0x9], $0x2800, $0x38;
	[tilespmem:$0x1DA80] =	vst v63  }
0xa5: {  	s24 =	sadd.s32 s22, s26  }
0xa6: {  	[tilespmem:s6], [sflag:$0x1] =	stream.linear.gather [hbm4b:s24+s6], $0x50, $0x38;
	[tilespmem:$0x1DA80] =	vst v63  }
0xa7: {  	_ =	swait.ge [sflag:s12], $0x2800  }
0xa8: {  	[sflag:s12] =	ssyncset.done $0x0  }
0xa9: {  	[sflag:s12] =	ssyncadd.s32 $0xFFFFD800  }
0xaa: {  	_ =	swait.ge [sflag:s19], $0x50  }
0xab: {  	[sflag:s19] =	ssyncset.done $0x0  }
0xac: {  	[sflag:s19] =	ssyncadd.s32 $0xFFFFFFB0  }
0xad: {  	[tilespmem:s31], [sflag:$0x8] =	stream.indirect.gather [spmem:s5], $0x80, s3, s8, $0xb8;
	[tilespmem:$0x1DA80] =	vst v63  }
0xae: {  	_ =	swait.ge [sflag:s25], $0x2800  }
0xaf: {  	s28 =	sadd.s32 $0xFFFFF600, s23;
	[sflag:s25] =	ssyncset.done $0x0  }
0xb0: {  	p0 =	seq.s32 s22, $0x460;
	s24 =	rddreg [dreg:$0x15];
	[sflag:s25] =	ssyncadd.s32 $0xFFFFD800  }
0xb1: {  	[hbm4b:s28+s6] =	stream.linear.scatter [tilespmem:s2], [sflag:$0xA], $0x2800, $0x38;
	[tilespmem:$0x1DA80] =	vst v63  }
0xb2: {  	s26 =	simm.s32 @!p0 $0x0;
	s24 =	sadd.s32 @!p0 s22, s24;
	s28 =	simm.s32 @!p0 $0x80  }
0xb3: {  	[tilespmem:s28], [sflag:$0x2] =	stream.linear.gather @!p0 [hbm4b:s24+s26], $0x50, $0x38;
	[tilespmem:$0x1DA80] =	vst v63  }
0xb4: {  	_ =	swait.ge [sflag:s7], $0x2800  }
0xb5: {  	[sflag:s7] =	ssyncset.done $0x0  }
0xb6: {  	[sflag:s7] =	ssyncadd.s32 $0xFFFFD800  }
0xb7: {  	_ =	swait.ge [sflag:s0], $0x50  }
0xb8: {  	[sflag:s0] =	ssyncset.done $0x0  }
0xb9: {  	[sflag:s0] =	ssyncadd.s32 $0xFFFFFFB0  }
0xba: {  	[tilespmem:s11], [sflag:$0x5] =	stream.indirect.gather [spmem:s5], $0x80, s6, s8, $0xb8;
	[tilespmem:$0x1DA80] =	vst v63  }
0xbb: {  	_ =	swait.ge [sflag:s9], $0x2800  }
0xbc: {  	[sflag:s9] =	ssyncset.done $0x0  }
0xbd: {  	s29 =	sadd.s32 $0xFFFFFB00, s23;
	s24 =	simm.s32 @p0 $0xA;
	[sflag:s9] =	ssyncadd.s32 $0xFFFFD800  }
0xbe: {  	[hbm4b:s29+s6] =	stream.linear.scatter [tilespmem:s16], [sflag:$0xB], $0x2800, $0x38;
	[tilespmem:$0x1DA80] =	vst v63  }
0xbf: {  	_ =	swait.ge @p0 [sflag:s24], $0x2800  }
0xc0: {  	[sflag:s24] =	ssyncset.done @p0 $0x0  }
0xc1: {  	[sflag:s24] =	ssyncadd.s32 @p0 $0xFFFFD800;
	s24 =	rddreg [dreg:$0x14]  }
0xc2: {  	s29 =	simm.s32 @!p0 $0x100;
	s24 =	sadd.s32 @!p0 s22, s24  }
0xc3: {  	[tilespmem:s29], [sflag:$0x3] =	stream.linear.gather @!p0 [hbm4b:s24+s26], $0x50, $0x38;
	[tilespmem:$0x1DA80] =	vst v63  }
0xc4: {  	s24 =	simm.s32 @!p0 $0xA  }
0xc5: {  	_ =	swait.ge @!p0 [sflag:s24], $0x2800  }
0xc6: {  	[sflag:s24] =	ssyncset.done @!p0 $0x0  }
0xc7: {  	[sflag:s24] =	ssyncadd.s32 @!p0 $0xFFFFD800;
	s24 =	simm.s32 @!p0 $0x2  }
0xc8: {  	_ =	swait.ge @!p0 [sflag:s24], $0x50  }
0xc9: {  	[sflag:s24] =	ssyncset.done @!p0 $0x0  }
0xca: {  	s26 =	simm.s32 @!p0 $0x2A00;
	[sflag:s24] =	ssyncadd.s32 @!p0 $0xFFFFFFB0;
	s24 =	simm.s32 @!p0 $0x50  }
0xcb: {  	[tilespmem:s26], [sflag:$0x6] =	stream.indirect.gather @!p0 [spmem:s5], $0x80, s28, s24, $0xb8;
	[tilespmem:$0x1DA80] =	vst v63  }
.Ltmp3:
0xcc: {  	_ = 	snop;
	(pc) =	sbr.rel @p0 .LBB2_6-.Ltmp3, $4  }
0xcd: {  	_ =	swait.ge [sflag:s13], $0x2800  }
0xce: {  	[sflag:s13] =	ssyncset.done $0x0  }
0xcf: {  	[sflag:s13] =	ssyncadd.s32 $0xFFFFD800  }
0xd0: {  	[hbm4b:s23+s6] =	stream.linear.scatter [tilespmem:s31], [sflag:$0xC], $0x2800, $0x38;
	[tilespmem:$0x1DA80] =	vst v63  }
.Ltmp4:
0xd1: {  	(pc) =	sbr.rel .LBB2_4-.Ltmp4, $3  }
0xd2: {  	_ =	sdelay $0x1  }
0xd3: {  	s24 =	sadd.s32 s22, s30;
	s22 =	sadd.s32 $0x28, s22;
	s23 =	sadd.s32 $0x1400, s23  }
0xd4: {  	[tilespmem:s3], [sflag:$0x4] =	stream.linear.gather [hbm4b:s24+s6], $0x50, $0x38;
	[tilespmem:$0x1DA80] =	vst v63  }
.LBB2_7:
0xd5: {  	_ =	sfence.sel $0x180000  }
0xd6: {  	[bflag:$0x0] =	sbarrier.arrive $0xFFFF  }
0xd7: {  	_ =	strace $0x90000047  }
0xd8: {  	s0 =	stileid.u32;
	[bflag:$0x2] =	sbarrier.arrive $0xFFFF  }
0xd9: {  	p0 =	sne.s32 s0, $0x0;
	s0 =	rddreg [dreg:$0x4]  }
0xda: {  	s0 =	sadd.s32 @!p0 $0x100000, s0  }
0xdb: {  	[sflag:s0] =	ssyncadd.tile.s32 @!p0 $0x1;
	_ =	shalt  }
.Lfunc_end2:
_tile_overlayer_lowered:
.L_overlay_start_2:
0xdc: {  	(tag) =	ssettag $0x2  }
0xdd: {  	s0 =	rddreg [dreg:$0x0];
	s2 =	stileid.u32  }
0xde: {  	s1 =	rddreg [dreg:$0x1];
	p0 =	sne.s32 s2, $0x0  }
0xdf: {  	s3 =	rddreg [dreg:$0x2];
	[bflag:$0x3] =	sbarrier.arrive $0xFFFF;
	s2 =	simm.s32 @!p0 $0x1C0E  }
0xe0: {  	[timem:s3], [sflag:s2] =	dma.local @!p0 [hbm:s0], s1  }
0xe1: {  	s0 =	simm.s32 @!p0 $0xE  }
0xe2: {  	_ =	swait.ge @!p0 [sflag:s0], s1  }
0xe3: {  	s1 =	ssub.s32 @!p0 $0x0, s1;
	[sflag:s0] =	ssyncset.done @!p0 $0x0  }
0xe4: {  	[sflag:s0] =	ssyncadd.s32 @!p0 s1  }
0xe5: {  	[bflag:$0x3] =	sbarrier.arrive $0xFFFF  }
0xe6: {  	_ =	shalt  }

</sc_bundles>
